<compile_context>
chip_gen: v7x
topology: tpu7x:2x2x1
jax: 0.10.2.dev20260603
libtpu: 0.0.44.dev20260713+nightly
codegen_flags: <defaults>
</compile_context>

<pallas_src>
import functools

import jax
import jax.numpy as jnp
from jax import lax
from jax.experimental import pallas as pl
from jax.experimental.pallas import tpu as pltpu
from jax.experimental.pallas import tpu_sc as plsc

_DEPTH = 1000
_BATCH = 16384
_NUM_CORES = 2
_NUM_SUBCORES = 16
_NUM_WORKERS = _NUM_CORES * _NUM_SUBCORES
_COLS_PER_WORKER = _BATCH // _NUM_WORKERS
_CHUNK_D = 120
_TAIL_D = _DEPTH - 8 * _CHUNK_D
_LANES = 16
_SCANS = _COLS_PER_WORKER // _LANES


def _onehot_body(x_hbm, out_hbm, idx_v, buf0, buf1, sem0, sem1):
    wid = lax.axis_index("s") * _NUM_CORES + lax.axis_index("c")
    col_base = wid * _COLS_PER_WORKER

    pltpu.sync_copy(x_hbm.at[pl.ds(col_base, _COLS_PER_WORKER)], idx_v)

    lane = lax.iota(jnp.int32, _LANES)
    ones_v = jnp.full((_LANES,), 1.0, jnp.float32)
    zeros_v = jnp.zeros((_LANES,), jnp.float32)

    def zero_buf(buf):
        def body(r, carry):
            for k in range(_COLS_PER_WORKER // _LANES):
                buf[r, pl.ds(k * _LANES, _LANES)] = zeros_v
            return carry

        lax.fori_loop(0, _CHUNK_D, body, 0)

    def scan_pass(buf, d0_set, set_len, d0_clear):
        def body(i, carry):
            idx = idx_v[pl.ds(i * _LANES, _LANES)]
            cols = lane + i * _LANES
            if d0_clear is not None:
                mc = (idx >= d0_clear) & (idx < d0_clear + _CHUNK_D)
                plsc.store_scatter(buf, [idx - d0_clear, cols], zeros_v, mask=mc)
            ms = (idx >= d0_set) & (idx < d0_set + set_len)
            plsc.store_scatter(buf, [idx - d0_set, cols], ones_v, mask=ms)
            return carry

        lax.fori_loop(0, _SCANS, body, 0)

    def chunk_dma(buf, d0, dlen, sem):
        dst = out_hbm.at[pl.ds(d0, dlen), pl.ds(col_base, _COLS_PER_WORKER)]
        src = buf if dlen == _CHUNK_D else buf.at[pl.ds(0, dlen), :]
        return pltpu.make_async_copy(src, dst, sem)

    zero_buf(buf0)
    scan_pass(buf0, 0, _CHUNK_D, None)
    chunk_dma(buf0, 0, _CHUNK_D, sem0).start()
    zero_buf(buf1)
    scan_pass(buf1, _CHUNK_D, _CHUNK_D, None)
    chunk_dma(buf1, _CHUNK_D, _CHUNK_D, sem1).start()

    def pair(p, carry):
        base = pl.multiple_of(p * 2 * _CHUNK_D, 8)
        for buf, sem, d0 in ((buf0, sem0, base), (buf1, sem1, base + _CHUNK_D)):
            chunk_dma(buf, d0, _CHUNK_D, sem).wait()
            scan_pass(buf, d0, _CHUNK_D, d0 - 2 * _CHUNK_D)
            chunk_dma(buf, d0, _CHUNK_D, sem).start()
        return carry

    lax.fori_loop(1, 4, pair, 0)

    d6, d8 = 6 * _CHUNK_D, 8 * _CHUNK_D
    chunk_dma(buf0, d6, _CHUNK_D, sem0).wait()
    scan_pass(buf0, d8, _TAIL_D, d6)
    chunk_dma(buf0, d8, _TAIL_D, sem0).start()

    chunk_dma(buf1, 7 * _CHUNK_D, _CHUNK_D, sem1).wait()
    chunk_dma(buf0, d8, _TAIL_D, sem0).wait()


@jax.jit
def _onehot_sc(x):
    mesh = plsc.VectorSubcoreMesh(core_axis_name="c", subcore_axis_name="s")
    fn = functools.partial(
        pl.kernel,
        mesh=mesh,
        out_type=jax.ShapeDtypeStruct((_DEPTH, _BATCH), jnp.float32),
        scratch_types=[
            pltpu.VMEM((_COLS_PER_WORKER,), jnp.int32),
            pltpu.VMEM((_CHUNK_D, _COLS_PER_WORKER), jnp.float32),
            pltpu.VMEM((_CHUNK_D, _COLS_PER_WORKER), jnp.float32),
            pltpu.SemaphoreType.DMA,
            pltpu.SemaphoreType.DMA,
        ],
        compiler_params=pltpu.CompilerParams(needs_layout_passes=False),
    )(_onehot_body)
    return fn(x)


def kernel(X_in, ones):
    del ones
    return _onehot_sc(X_in.astype(jnp.int32)).T

# --- scband reference (transcript-rebuilt; emitter-appended) ---
"""Pipeline reference for scband-one-hot-2499670966476 (READ-ONLY COPY).

The authoritative reference and input builder live on the scoring server;
editing this copy changes nothing except your own understanding.
"""

import jax, jax.numpy as jnp
import numpy as np

DEPTH = 1000
BATCH = 16384

def setup_inputs(seed: int = 0) -> dict:
    key = jax.random.key(seed)
    k1, = jax.random.split(key, 1)
    X_in = jax.random.randint(k1, (BATCH,), 0, DEPTH, dtype=jnp.int64 if jax.config.jax_enable_x64 else jnp.int32)
    ones = jnp.eye(DEPTH, dtype=jnp.float32)
    return {"X_in": X_in, "ones": ones}

def reference(X_in, ones):
    # torch: self.ones.index_select(0, X_in.long()) -> row gather from identity
    idx = X_in.astype(jnp.int32)
    return jnp.take(ones, idx, axis=0)

if __name__ == "__main__":
    import jax
    _d = setup_inputs()
    print(jax.jit(kernel)(*tuple(_d.values())))

</pallas_src>

<mosaic_0001>
#map = affine_map<(d0, d1) -> (0)>
#map1 = affine_map<(d0, d1) -> (0, 0)>
module attributes {stable_mosaic.version = 14 : i64} {
  func.func @_onehot_body(%arg0: i32, %arg1: i32, %arg2: memref<16384xi32, #tpu.memory_space<hbm>>, %arg3: memref<1000x16384xf32, #tpu.memory_space<hbm>>, %arg4: memref<512xi32, #tpu.memory_space<vmem>>, %arg5: memref<120x512xf32, #tpu.memory_space<vmem>>, %arg6: memref<120x512xf32, #tpu.memory_space<vmem>>, %arg7: memref<!tpu.dma_semaphore, #tpu.memory_space<semaphore_mem>>, %arg8: memref<!tpu.dma_semaphore, #tpu.memory_space<semaphore_mem>>) attributes {dimension_semantics = [#tpu.dimension_semantics<core_parallel>, #tpu.dimension_semantics<subcore_parallel>], iteration_bounds = array<i64: 2, 16>, scalar_prefetch = 0 : i64, scratch_operands = 5 : i64, tpu.core_type = #tpu.core_type<sc_vector_subcore>, window_params = [{transform_indices = #map}, {transform_indices = #map1}]} {
    %mul3A = arith.constant 2 : i32
    %mul3A_0 = arith.muli %arg1, %mul3A : i32
    %add3A = arith.addi %mul3A_0, %arg0 : i32
    %mul3A_1 = arith.constant 512 : i32
    %mul3A_2 = arith.muli %add3A, %mul3A_1 : i32
    "tpu.region"() ({
      %run_scoped3A = tpu.sem_alloc : memref<!tpu.dma_semaphore, #tpu.memory_space<semaphore_mem>>
      %dma_start3A_75 = tpu.memref_slice %arg2[%mul3A_2] : memref<16384xi32, #tpu.memory_space<hbm>> -> memref<512xi32, #tpu.memory_space<hbm>>
      %dma_start3A_76 = tpu.memref_slice %arg2[%mul3A_2] : memref<16384xi32, #tpu.memory_space<hbm>> -> memref<512xi32, #tpu.memory_space<hbm>>
      tpu.enqueue_dma source(%dma_start3A_76 : memref<512xi32, #tpu.memory_space<hbm>>) target(%arg4 : memref<512xi32, #tpu.memory_space<vmem>>) target_semaphore(%run_scoped3A : memref<!tpu.dma_semaphore, #tpu.memory_space<semaphore_mem>>)
      %dma_wait3A_77 = tpu.memref_slice %arg2[%mul3A_2] : memref<16384xi32, #tpu.memory_space<hbm>> -> memref<512xi32, #tpu.memory_space<hbm>>
      %dma_wait3A_78 = tpu.memref_slice %arg2[%mul3A_2] : memref<16384xi32, #tpu.memory_space<hbm>> -> memref<512xi32, #tpu.memory_space<hbm>>
      tpu.wait_dma2 semaphore(%run_scoped3A : memref<!tpu.dma_semaphore, #tpu.memory_space<semaphore_mem>>) src(%dma_wait3A_78 : memref<512xi32, #tpu.memory_space<hbm>>) dst(%arg4 : memref<512xi32, #tpu.memory_space<vmem>>)
      tpu.yield
    }) : () -> ()
    %iota3A = tpu.iota {dimensions = array<i32: 0>} : vector<16xi32>
    %broadcast_in_dim3A = arith.constant 1.000000e+00 : f32
    %broadcast_in_dim3A_3 = vector.broadcast %broadcast_in_dim3A : f32 to vector<16xf32>
    %broadcast_in_dim3A_4 = arith.constant 0.000000e+00 : f32
    %broadcast_in_dim3A_5 = vector.broadcast %broadcast_in_dim3A_4 : f32 to vector<16xf32>
    %scan3A = arith.constant 0 : i32
    %scan3A_6 = arith.constant 0 : i32
    %scan3A_7 = arith.constant 120 : i32
    %scan3A_8 = arith.addi %scan3A_6, %scan3A_7 : i32
    %scan3A_9 = arith.constant 1 : i32
    scf.for %scan3A_75 = %scan3A_6 to %scan3A_8 step %scan3A_9  : i32 {
      %swap3A = arith.index_cast %scan3A_75 : i32 to index
      %swap3A_76 = arith.constant 0 : index
      %swap3A_77 = tpu.vector_load %arg5[%swap3A, %swap3A_76] {strides = array<i32>} : memref<120x512xf32, #tpu.memory_space<vmem>>, vector<16xf32>,
      tpu.vector_store %arg5[%swap3A, %swap3A_76], %broadcast_in_dim3A_5 {strides = array<i32>} : memref<120x512xf32, #tpu.memory_space<vmem>>, vector<16xf32>,
      %swap3A_78 = arith.index_cast %scan3A_75 : i32 to index
      %swap3A_79 = arith.constant 16 : index
      %swap3A_80 = tpu.vector_load %arg5[%swap3A_78, %swap3A_79] {strides = array<i32>} : memref<120x512xf32, #tpu.memory_space<vmem>>, vector<16xf32>,
      tpu.vector_store %arg5[%swap3A_78, %swap3A_79], %broadcast_in_dim3A_5 {strides = array<i32>} : memref<120x512xf32, #tpu.memory_space<vmem>>, vector<16xf32>,
      %swap3A_81 = arith.index_cast %scan3A_75 : i32 to index
      %swap3A_82 = arith.constant 32 : index
      %swap3A_83 = tpu.vector_load %arg5[%swap3A_81, %swap3A_82] {strides = array<i32>} : memref<120x512xf32, #tpu.memory_space<vmem>>, vector<16xf32>,
      tpu.vector_store %arg5[%swap3A_81, %swap3A_82], %broadcast_in_dim3A_5 {strides = array<i32>} : memref<120x512xf32, #tpu.memory_space<vmem>>, vector<16xf32>,
      %swap3A_84 = arith.index_cast %scan3A_75 : i32 to index
      %swap3A_85 = arith.constant 48 : index
      %swap3A_86 = tpu.vector_load %arg5[%swap3A_84, %swap3A_85] {strides = array<i32>} : memref<120x512xf32, #tpu.memory_space<vmem>>, vector<16xf32>,
      tpu.vector_store %arg5[%swap3A_84, %swap3A_85], %broadcast_in_dim3A_5 {strides = array<i32>} : memref<120x512xf32, #tpu.memory_space<vmem>>, vector<16xf32>,
      %swap3A_87 = arith.index_cast %scan3A_75 : i32 to index
      %swap3A_88 = arith.constant 64 : index
      %swap3A_89 = tpu.vector_load %arg5[%swap3A_87, %swap3A_88] {strides = array<i32>} : memref<120x512xf32, #tpu.memory_space<vmem>>, vector<16xf32>,
      tpu.vector_store %arg5[%swap3A_87, %swap3A_88], %broadcast_in_dim3A_5 {strides = array<i32>} : memref<120x512xf32, #tpu.memory_space<vmem>>, vector<16xf32>,
      %swap3A_90 = arith.index_cast %scan3A_75 : i32 to index
      %swap3A_91 = arith.constant 80 : index
      %swap3A_92 = tpu.vector_load %arg5[%swap3A_90, %swap3A_91] {strides = array<i32>} : memref<120x512xf32, #tpu.memory_space<vmem>>, vector<16xf32>,
      tpu.vector_store %arg5[%swap3A_90, %swap3A_91], %broadcast_in_dim3A_5 {strides = array<i32>} : memref<120x512xf32, #tpu.memory_space<vmem>>, vector<16xf32>,
      %swap3A_93 = arith.index_cast %scan3A_75 : i32 to index
      %swap3A_94 = arith.constant 96 : index
      %swap3A_95 = tpu.vector_load %arg5[%swap3A_93, %swap3A_94] {strides = array<i32>} : memref<120x512xf32, #tpu.memory_space<vmem>>, vector<16xf32>,
      tpu.vector_store %arg5[%swap3A_93, %swap3A_94], %broadcast_in_dim3A_5 {strides = array<i32>} : memref<120x512xf32, #tpu.memory_space<vmem>>, vector<16xf32>,
      %swap3A_96 = arith.index_cast %scan3A_75 : i32 to index
      %swap3A_97 = arith.constant 112 : index
      %swap3A_98 = tpu.vector_load %arg5[%swap3A_96, %swap3A_97] {strides = array<i32>} : memref<120x512xf32, #tpu.memory_space<vmem>>, vector<16xf32>,
      tpu.vector_store %arg5[%swap3A_96, %swap3A_97], %broadcast_in_dim3A_5 {strides = array<i32>} : memref<120x512xf32, #tpu.memory_space<vmem>>, vector<16xf32>,
      %swap3A_99 = arith.index_cast %scan3A_75 : i32 to index
      %swap3A_100 = arith.constant 128 : index
      %swap3A_101 = tpu.vector_load %arg5[%swap3A_99, %swap3A_100] {strides = array<i32>} : memref<120x512xf32, #tpu.memory_space<vmem>>, vector<16xf32>,
      tpu.vector_store %arg5[%swap3A_99, %swap3A_100], %broadcast_in_dim3A_5 {strides = array<i32>} : memref<120x512xf32, #tpu.memory_space<vmem>>, vector<16xf32>,
      %swap3A_102 = arith.index_cast %scan3A_75 : i32 to index
      %swap3A_103 = arith.constant 144 : index
      %swap3A_104 = tpu.vector_load %arg5[%swap3A_102, %swap3A_103] {strides = array<i32>} : memref<120x512xf32, #tpu.memory_space<vmem>>, vector<16xf32>,
      tpu.vector_store %arg5[%swap3A_102, %swap3A_103], %broadcast_in_dim3A_5 {strides = array<i32>} : memref<120x512xf32, #tpu.memory_space<vmem>>, vector<16xf32>,
      %swap3A_105 = arith.index_cast %scan3A_75 : i32 to index
      %swap3A_106 = arith.constant 160 : index
      %swap3A_107 = tpu.vector_load %arg5[%swap3A_105, %swap3A_106] {strides = array<i32>} : memref<120x512xf32, #tpu.memory_space<vmem>>, vector<16xf32>,
      tpu.vector_store %arg5[%swap3A_105, %swap3A_106], %broadcast_in_dim3A_5 {strides = array<i32>} : memref<120x512xf32, #tpu.memory_space<vmem>>, vector<16xf32>,
      %swap3A_108 = arith.index_cast %scan3A_75 : i32 to index
      %swap3A_109 = arith.constant 176 : index
      %swap3A_110 = tpu.vector_load %arg5[%swap3A_108, %swap3A_109] {strides = array<i32>} : memref<120x512xf32, #tpu.memory_space<vmem>>, vector<16xf32>,
      tpu.vector_store %arg5[%swap3A_108, %swap3A_109], %broadcast_in_dim3A_5 {strides = array<i32>} : memref<120x512xf32, #tpu.memory_space<vmem>>, vector<16xf32>,
      %swap3A_111 = arith.index_cast %scan3A_75 : i32 to index
      %swap3A_112 = arith.constant 192 : index
      %swap3A_113 = tpu.vector_load %arg5[%swap3A_111, %swap3A_112] {strides = array<i32>} : memref<120x512xf32, #tpu.memory_space<vmem>>, vector<16xf32>,
      tpu.vector_store %arg5[%swap3A_111, %swap3A_112], %broadcast_in_dim3A_5 {strides = array<i32>} : memref<120x512xf32, #tpu.memory_space<vmem>>, vector<16xf32>,
      %swap3A_114 = arith.index_cast %scan3A_75 : i32 to index
      %swap3A_115 = arith.constant 208 : index
      %swap3A_116 = tpu.vector_load %arg5[%swap3A_114, %swap3A_115] {strides = array<i32>} : memref<120x512xf32, #tpu.memory_space<vmem>>, vector<16xf32>,
      tpu.vector_store %arg5[%swap3A_114, %swap3A_115], %broadcast_in_dim3A_5 {strides = array<i32>} : memref<120x512xf32, #tpu.memory_space<vmem>>, vector<16xf32>,
      %swap3A_117 = arith.index_cast %scan3A_75 : i32 to index
      %swap3A_118 = arith.constant 224 : index
      %swap3A_119 = tpu.vector_load %arg5[%swap3A_117, %swap3A_118] {strides = array<i32>} : memref<120x512xf32, #tpu.memory_space<vmem>>, vector<16xf32>,
      tpu.vector_store %arg5[%swap3A_117, %swap3A_118], %broadcast_in_dim3A_5 {strides = array<i32>} : memref<120x512xf32, #tpu.memory_space<vmem>>, vector<16xf32>,
      %swap3A_120 = arith.index_cast %scan3A_75 : i32 to index
      %swap3A_121 = arith.constant 240 : index
      %swap3A_122 = tpu.vector_load %arg5[%swap3A_120, %swap3A_121] {strides = array<i32>} : memref<120x512xf32, #tpu.memory_space<vmem>>, vector<16xf32>,
      tpu.vector_store %arg5[%swap3A_120, %swap3A_121], %broadcast_in_dim3A_5 {strides = array<i32>} : memref<120x512xf32, #tpu.memory_space<vmem>>, vector<16xf32>,
      %swap3A_123 = arith.index_cast %scan3A_75 : i32 to index
      %swap3A_124 = arith.constant 256 : index
      %swap3A_125 = tpu.vector_load %arg5[%swap3A_123, %swap3A_124] {strides = array<i32>} : memref<120x512xf32, #tpu.memory_space<vmem>>, vector<16xf32>,
      tpu.vector_store %arg5[%swap3A_123, %swap3A_124], %broadcast_in_dim3A_5 {strides = array<i32>} : memref<120x512xf32, #tpu.memory_space<vmem>>, vector<16xf32>,
      %swap3A_126 = arith.index_cast %scan3A_75 : i32 to index
      %swap3A_127 = arith.constant 272 : index
      %swap3A_128 = tpu.vector_load %arg5[%swap3A_126, %swap3A_127] {strides = array<i32>} : memref<120x512xf32, #tpu.memory_space<vmem>>, vector<16xf32>,
      tpu.vector_store %arg5[%swap3A_126, %swap3A_127], %broadcast_in_dim3A_5 {strides = array<i32>} : memref<120x512xf32, #tpu.memory_space<vmem>>, vector<16xf32>,
      %swap3A_129 = arith.index_cast %scan3A_75 : i32 to index
      %swap3A_130 = arith.constant 288 : index
      %swap3A_131 = tpu.vector_load %arg5[%swap3A_129, %swap3A_130] {strides = array<i32>} : memref<120x512xf32, #tpu.memory_space<vmem>>, vector<16xf32>,
      tpu.vector_store %arg5[%swap3A_129, %swap3A_130], %broadcast_in_dim3A_5 {strides = array<i32>} : memref<120x512xf32, #tpu.memory_space<vmem>>, vector<16xf32>,
      %swap3A_132 = arith.index_cast %scan3A_75 : i32 to index
      %swap3A_133 = arith.constant 304 : index
      %swap3A_134 = tpu.vector_load %arg5[%swap3A_132, %swap3A_133] {strides = array<i32>} : memref<120x512xf32, #tpu.memory_space<vmem>>, vector<16xf32>,
      tpu.vector_store %arg5[%swap3A_132, %swap3A_133], %broadcast_in_dim3A_5 {strides = array<i32>} : memref<120x512xf32, #tpu.memory_space<vmem>>, vector<16xf32>,
      %swap3A_135 = arith.index_cast %scan3A_75 : i32 to index
      %swap3A_136 = arith.constant 320 : index
      %swap3A_137 = tpu.vector_load %arg5[%swap3A_135, %swap3A_136] {strides = array<i32>} : memref<120x512xf32, #tpu.memory_space<vmem>>, vector<16xf32>,
      tpu.vector_store %arg5[%swap3A_135, %swap3A_136], %broadcast_in_dim3A_5 {strides = array<i32>} : memref<120x512xf32, #tpu.memory_space<vmem>>, vector<16xf32>,
      %swap3A_138 = arith.index_cast %scan3A_75 : i32 to index
      %swap3A_139 = arith.constant 336 : index
      %swap3A_140 = tpu.vector_load %arg5[%swap3A_138, %swap3A_139] {strides = array<i32>} : memref<120x512xf32, #tpu.memory_space<vmem>>, vector<16xf32>,
      tpu.vector_store %arg5[%swap3A_138, %swap3A_139], %broadcast_in_dim3A_5 {strides = array<i32>} : memref<120x512xf32, #tpu.memory_space<vmem>>, vector<16xf32>,
      %swap3A_141 = arith.index_cast %scan3A_75 : i32 to index
      %swap3A_142 = arith.constant 352 : index
      %swap3A_143 = tpu.vector_load %arg5[%swap3A_141, %swap3A_142] {strides = array<i32>} : memref<120x512xf32, #tpu.memory_space<vmem>>, vector<16xf32>,
      tpu.vector_store %arg5[%swap3A_141, %swap3A_142], %broadcast_in_dim3A_5 {strides = array<i32>} : memref<120x512xf32, #tpu.memory_space<vmem>>, vector<16xf32>,
      %swap3A_144 = arith.index_cast %scan3A_75 : i32 to index
      %swap3A_145 = arith.constant 368 : index
      %swap3A_146 = tpu.vector_load %arg5[%swap3A_144, %swap3A_145] {strides = array<i32>} : memref<120x512xf32, #tpu.memory_space<vmem>>, vector<16xf32>,
      tpu.vector_store %arg5[%swap3A_144, %swap3A_145], %broadcast_in_dim3A_5 {strides = array<i32>} : memref<120x512xf32, #tpu.memory_space<vmem>>, vector<16xf32>,
      %swap3A_147 = arith.index_cast %scan3A_75 : i32 to index
      %swap3A_148 = arith.constant 384 : index
      %swap3A_149 = tpu.vector_load %arg5[%swap3A_147, %swap3A_148] {strides = array<i32>} : memref<120x512xf32, #tpu.memory_space<vmem>>, vector<16xf32>,
      tpu.vector_store %arg5[%swap3A_147, %swap3A_148], %broadcast_in_dim3A_5 {strides = array<i32>} : memref<120x512xf32, #tpu.memory_space<vmem>>, vector<16xf32>,
      %swap3A_150 = arith.index_cast %scan3A_75 : i32 to index
      %swap3A_151 = arith.constant 400 : index
      %swap3A_152 = tpu.vector_load %arg5[%swap3A_150, %swap3A_151] {strides = array<i32>} : memref<120x512xf32, #tpu.memory_space<vmem>>, vector<16xf32>,
      tpu.vector_store %arg5[%swap3A_150, %swap3A_151], %broadcast_in_dim3A_5 {strides = array<i32>} : memref<120x512xf32, #tpu.memory_space<vmem>>, vector<16xf32>,
      %swap3A_153 = arith.index_cast %scan3A_75 : i32 to index
      %swap3A_154 = arith.constant 416 : index
      %swap3A_155 = tpu.vector_load %arg5[%swap3A_153, %swap3A_154] {strides = array<i32>} : memref<120x512xf32, #tpu.memory_space<vmem>>, vector<16xf32>,
      tpu.vector_store %arg5[%swap3A_153, %swap3A_154], %broadcast_in_dim3A_5 {strides = array<i32>} : memref<120x512xf32, #tpu.memory_space<vmem>>, vector<16xf32>,
      %swap3A_156 = arith.index_cast %scan3A_75 : i32 to index
      %swap3A_157 = arith.constant 432 : index
      %swap3A_158 = tpu.vector_load %arg5[%swap3A_156, %swap3A_157] {strides = array<i32>} : memref<120x512xf32, #tpu.memory_space<vmem>>, vector<16xf32>,
      tpu.vector_store %arg5[%swap3A_156, %swap3A_157], %broadcast_in_dim3A_5 {strides = array<i32>} : memref<120x512xf32, #tpu.memory_space<vmem>>, vector<16xf32>,
      %swap3A_159 = arith.index_cast %scan3A_75 : i32 to index
      %swap3A_160 = arith.constant 448 : index
      %swap3A_161 = tpu.vector_load %arg5[%swap3A_159, %swap3A_160] {strides = array<i32>} : memref<120x512xf32, #tpu.memory_space<vmem>>, vector<16xf32>,
      tpu.vector_store %arg5[%swap3A_159, %swap3A_160], %broadcast_in_dim3A_5 {strides = array<i32>} : memref<120x512xf32, #tpu.memory_space<vmem>>, vector<16xf32>,
      %swap3A_162 = arith.index_cast %scan3A_75 : i32 to index
      %swap3A_163 = arith.constant 464 : index
      %swap3A_164 = tpu.vector_load %arg5[%swap3A_162, %swap3A_163] {strides = array<i32>} : memref<120x512xf32, #tpu.memory_space<vmem>>, vector<16xf32>,
      tpu.vector_store %arg5[%swap3A_162, %swap3A_163], %broadcast_in_dim3A_5 {strides = array<i32>} : memref<120x512xf32, #tpu.memory_space<vmem>>, vector<16xf32>,
      %swap3A_165 = arith.index_cast %scan3A_75 : i32 to index
      %swap3A_166 = arith.constant 480 : index
      %swap3A_167 = tpu.vector_load %arg5[%swap3A_165, %swap3A_166] {strides = array<i32>} : memref<120x512xf32, #tpu.memory_space<vmem>>, vector<16xf32>,
      tpu.vector_store %arg5[%swap3A_165, %swap3A_166], %broadcast_in_dim3A_5 {strides = array<i32>} : memref<120x512xf32, #tpu.memory_space<vmem>>, vector<16xf32>,
      %swap3A_168 = arith.index_cast %scan3A_75 : i32 to index
      %swap3A_169 = arith.constant 496 : index
      %swap3A_170 = tpu.vector_load %arg5[%swap3A_168, %swap3A_169] {strides = array<i32>} : memref<120x512xf32, #tpu.memory_space<vmem>>, vector<16xf32>,
      tpu.vector_store %arg5[%swap3A_168, %swap3A_169], %broadcast_in_dim3A_5 {strides = array<i32>} : memref<120x512xf32, #tpu.memory_space<vmem>>, vector<16xf32>,
    }
    %scan3A_10 = arith.constant 120 : i32
    %scan3A_11 = arith.constant 0 : i32
    %scan3A_12 = arith.constant 0 : i32
    %scan3A_13 = arith.constant 32 : i32
    %scan3A_14 = arith.addi %scan3A_12, %scan3A_13 : i32
    %scan3A_15 = arith.constant 1 : i32
    scf.for %scan3A_75 = %scan3A_12 to %scan3A_14 step %scan3A_15  : i32 {
      %mul3A_76 = arith.constant 16 : i32
      %mul3A_77 = arith.muli %scan3A_75, %mul3A_76 : i32
      %get3A = arith.index_cast %mul3A_77 : i32 to index
      %get3A_78 = tpu.vector_load %arg4[%get3A] {strides = array<i32>} : memref<512xi32, #tpu.memory_space<vmem>>, vector<16xi32>,
      %mul3A_79 = arith.constant 16 : i32
      %mul3A_80 = arith.muli %scan3A_75, %mul3A_79 : i32
      %add3A_81 = vector.broadcast %mul3A_80 : i32 to vector<16xi32>
      %add3A_82 = arith.addi %iota3A, %add3A_81 : vector<16xi32>
      %ge3A = arith.constant 0 : i32
      %ge3A_83 = vector.broadcast %ge3A : i32 to vector<16xi32>
      %ge3A_84 = arith.cmpi sge, %get3A_78, %ge3A_83 : vector<16xi32>
      %lt3A = arith.constant 120 : i32
      %lt3A_85 = vector.broadcast %lt3A : i32 to vector<16xi32>
      %lt3A_86 = arith.cmpi slt, %get3A_78, %lt3A_85 : vector<16xi32>
      %and3A = arith.andi %ge3A_84, %lt3A_86 : vector<16xi1>
      %sub3A = arith.constant 0 : i32
      %sub3A_87 = vector.broadcast %sub3A : i32 to vector<16xi32>
      %sub3A_88 = arith.subi %get3A_78, %sub3A_87 : vector<16xi32>
      tpu.vector_store_idx %arg5[%sub3A_88, %add3A_82], %broadcast_in_dim3A_3 masked %and3A : memref<120x512xf32, #tpu.memory_space<vmem>>[vector<16xi32>, vector<16xi32>], vector<16xf32>, vector<16xi1>
    }
    %scan3A_16 = arith.constant 32 : i32
    %dma_start3A = arith.constant 0 : i32
    %dma_start3A_17 = tpu.memref_slice %arg3[%dma_start3A, %mul3A_2] : memref<1000x16384xf32, #tpu.memory_space<hbm>> -> memref<120x512xf32, #tpu.memory_space<hbm>>
    %dma_start3A_18 = arith.constant 0 : i32
    %dma_start3A_19 = tpu.memref_slice %arg3[%dma_start3A_18, %mul3A_2] : memref<1000x16384xf32, #tpu.memory_space<hbm>> -> memref<120x512xf32, #tpu.memory_space<hbm>>
    tpu.enqueue_dma source(%arg5 : memref<120x512xf32, #tpu.memory_space<vmem>>) target(%dma_start3A_19 : memref<120x512xf32, #tpu.memory_space<hbm>>) target_semaphore(%arg7 : memref<!tpu.dma_semaphore, #tpu.memory_space<semaphore_mem>>)
    %scan3A_20 = arith.constant 0 : i32
    %scan3A_21 = arith.constant 0 : i32
    %scan3A_22 = arith.constant 120 : i32
    %scan3A_23 = arith.addi %scan3A_21, %scan3A_22 : i32
    %scan3A_24 = arith.constant 1 : i32
    scf.for %scan3A_75 = %scan3A_21 to %scan3A_23 step %scan3A_24  : i32 {
      %swap3A = arith.index_cast %scan3A_75 : i32 to index
      %swap3A_76 = arith.constant 0 : index
      %swap3A_77 = tpu.vector_load %arg6[%swap3A, %swap3A_76] {strides = array<i32>} : memref<120x512xf32, #tpu.memory_space<vmem>>, vector<16xf32>,
      tpu.vector_store %arg6[%swap3A, %swap3A_76], %broadcast_in_dim3A_5 {strides = array<i32>} : memref<120x512xf32, #tpu.memory_space<vmem>>, vector<16xf32>,
      %swap3A_78 = arith.index_cast %scan3A_75 : i32 to index
      %swap3A_79 = arith.constant 16 : index
      %swap3A_80 = tpu.vector_load %arg6[%swap3A_78, %swap3A_79] {strides = array<i32>} : memref<120x512xf32, #tpu.memory_space<vmem>>, vector<16xf32>,
      tpu.vector_store %arg6[%swap3A_78, %swap3A_79], %broadcast_in_dim3A_5 {strides = array<i32>} : memref<120x512xf32, #tpu.memory_space<vmem>>, vector<16xf32>,
      %swap3A_81 = arith.index_cast %scan3A_75 : i32 to index
      %swap3A_82 = arith.constant 32 : index
      %swap3A_83 = tpu.vector_load %arg6[%swap3A_81, %swap3A_82] {strides = array<i32>} : memref<120x512xf32, #tpu.memory_space<vmem>>, vector<16xf32>,
      tpu.vector_store %arg6[%swap3A_81, %swap3A_82], %broadcast_in_dim3A_5 {strides = array<i32>} : memref<120x512xf32, #tpu.memory_space<vmem>>, vector<16xf32>,
      %swap3A_84 = arith.index_cast %scan3A_75 : i32 to index
      %swap3A_85 = arith.constant 48 : index
      %swap3A_86 = tpu.vector_load %arg6[%swap3A_84, %swap3A_85] {strides = array<i32>} : memref<120x512xf32, #tpu.memory_space<vmem>>, vector<16xf32>,
      tpu.vector_store %arg6[%swap3A_84, %swap3A_85], %broadcast_in_dim3A_5 {strides = array<i32>} : memref<120x512xf32, #tpu.memory_space<vmem>>, vector<16xf32>,
      %swap3A_87 = arith.index_cast %scan3A_75 : i32 to index
      %swap3A_88 = arith.constant 64 : index
      %swap3A_89 = tpu.vector_load %arg6[%swap3A_87, %swap3A_88] {strides = array<i32>} : memref<120x512xf32, #tpu.memory_space<vmem>>, vector<16xf32>,
      tpu.vector_store %arg6[%swap3A_87, %swap3A_88], %broadcast_in_dim3A_5 {strides = array<i32>} : memref<120x512xf32, #tpu.memory_space<vmem>>, vector<16xf32>,
      %swap3A_90 = arith.index_cast %scan3A_75 : i32 to index
      %swap3A_91 = arith.constant 80 : index
      %swap3A_92 = tpu.vector_load %arg6[%swap3A_90, %swap3A_91] {strides = array<i32>} : memref<120x512xf32, #tpu.memory_space<vmem>>, vector<16xf32>,
      tpu.vector_store %arg6[%swap3A_90, %swap3A_91], %broadcast_in_dim3A_5 {strides = array<i32>} : memref<120x512xf32, #tpu.memory_space<vmem>>, vector<16xf32>,
      %swap3A_93 = arith.index_cast %scan3A_75 : i32 to index
      %swap3A_94 = arith.constant 96 : index
      %swap3A_95 = tpu.vector_load %arg6[%swap3A_93, %swap3A_94] {strides = array<i32>} : memref<120x512xf32, #tpu.memory_space<vmem>>, vector<16xf32>,
      tpu.vector_store %arg6[%swap3A_93, %swap3A_94], %broadcast_in_dim3A_5 {strides = array<i32>} : memref<120x512xf32, #tpu.memory_space<vmem>>, vector<16xf32>,
      %swap3A_96 = arith.index_cast %scan3A_75 : i32 to index
      %swap3A_97 = arith.constant 112 : index
      %swap3A_98 = tpu.vector_load %arg6[%swap3A_96, %swap3A_97] {strides = array<i32>} : memref<120x512xf32, #tpu.memory_space<vmem>>, vector<16xf32>,
      tpu.vector_store %arg6[%swap3A_96, %swap3A_97], %broadcast_in_dim3A_5 {strides = array<i32>} : memref<120x512xf32, #tpu.memory_space<vmem>>, vector<16xf32>,
      %swap3A_99 = arith.index_cast %scan3A_75 : i32 to index
      %swap3A_100 = arith.constant 128 : index
      %swap3A_101 = tpu.vector_load %arg6[%swap3A_99, %swap3A_100] {strides = array<i32>} : memref<120x512xf32, #tpu.memory_space<vmem>>, vector<16xf32>,
      tpu.vector_store %arg6[%swap3A_99, %swap3A_100], %broadcast_in_dim3A_5 {strides = array<i32>} : memref<120x512xf32, #tpu.memory_space<vmem>>, vector<16xf32>,
      %swap3A_102 = arith.index_cast %scan3A_75 : i32 to index
      %swap3A_103 = arith.constant 144 : index
      %swap3A_104 = tpu.vector_load %arg6[%swap3A_102, %swap3A_103] {strides = array<i32>} : memref<120x512xf32, #tpu.memory_space<vmem>>, vector<16xf32>,
      tpu.vector_store %arg6[%swap3A_102, %swap3A_103], %broadcast_in_dim3A_5 {strides = array<i32>} : memref<120x512xf32, #tpu.memory_space<vmem>>, vector<16xf32>,
      %swap3A_105 = arith.index_cast %scan3A_75 : i32 to index
      %swap3A_106 = arith.constant 160 : index
      %swap3A_107 = tpu.vector_load %arg6[%swap3A_105, %swap3A_106] {strides = array<i32>} : memref<120x512xf32, #tpu.memory_space<vmem>>, vector<16xf32>,
      tpu.vector_store %arg6[%swap3A_105, %swap3A_106], %broadcast_in_dim3A_5 {strides = array<i32>} : memref<120x512xf32, #tpu.memory_space<vmem>>, vector<16xf32>,
      %swap3A_108 = arith.index_cast %scan3A_75 : i32 to index
      %swap3A_109 = arith.constant 176 : index
      %swap3A_110 = tpu.vector_load %arg6[%swap3A_108, %swap3A_109] {strides = array<i32>} : memref<120x512xf32, #tpu.memory_space<vmem>>, vector<16xf32>,
      tpu.vector_store %arg6[%swap3A_108, %swap3A_109], %broadcast_in_dim3A_5 {strides = array<i32>} : memref<120x512xf32, #tpu.memory_space<vmem>>, vector<16xf32>,
      %swap3A_111 = arith.index_cast %scan3A_75 : i32 to index
      %swap3A_112 = arith.constant 192 : index
      %swap3A_113 = tpu.vector_load %arg6[%swap3A_111, %swap3A_112] {strides = array<i32>} : memref<120x512xf32, #tpu.memory_space<vmem>>, vector<16xf32>,
      tpu.vector_store %arg6[%swap3A_111, %swap3A_112], %broadcast_in_dim3A_5 {strides = array<i32>} : memref<120x512xf32, #tpu.memory_space<vmem>>, vector<16xf32>,
      %swap3A_114 = arith.index_cast %scan3A_75 : i32 to index
      %swap3A_115 = arith.constant 208 : index
      %swap3A_116 = tpu.vector_load %arg6[%swap3A_114, %swap3A_115] {strides = array<i32>} : memref<120x512xf32, #tpu.memory_space<vmem>>, vector<16xf32>,
      tpu.vector_store %arg6[%swap3A_114, %swap3A_115], %broadcast_in_dim3A_5 {strides = array<i32>} : memref<120x512xf32, #tpu.memory_space<vmem>>, vector<16xf32>,
      %swap3A_117 = arith.index_cast %scan3A_75 : i32 to index
      %swap3A_118 = arith.constant 224 : index
      %swap3A_119 = tpu.vector_load %arg6[%swap3A_117, %swap3A_118] {strides = array<i32>} : memref<120x512xf32, #tpu.memory_space<vmem>>, vector<16xf32>,
      tpu.vector_store %arg6[%swap3A_117, %swap3A_118], %broadcast_in_dim3A_5 {strides = array<i32>} : memref<120x512xf32, #tpu.memory_space<vmem>>, vector<16xf32>,
      %swap3A_120 = arith.index_cast %scan3A_75 : i32 to index
      %swap3A_121 = arith.constant 240 : index
      %swap3A_122 = tpu.vector_load %arg6[%swap3A_120, %swap3A_121] {strides = array<i32>} : memref<120x512xf32, #tpu.memory_space<vmem>>, vector<16xf32>,
      tpu.vector_store %arg6[%swap3A_120, %swap3A_121], %broadcast_in_dim3A_5 {strides = array<i32>} : memref<120x512xf32, #tpu.memory_space<vmem>>, vector<16xf32>,
      %swap3A_123 = arith.index_cast %scan3A_75 : i32 to index
      %swap3A_124 = arith.constant 256 : index
      %swap3A_125 = tpu.vector_load %arg6[%swap3A_123, %swap3A_124] {strides = array<i32>} : memref<120x512xf32, #tpu.memory_space<vmem>>, vector<16xf32>,
      tpu.vector_store %arg6[%swap3A_123, %swap3A_124], %broadcast_in_dim3A_5 {strides = array<i32>} : memref<120x512xf32, #tpu.memory_space<vmem>>, vector<16xf32>,
      %swap3A_126 = arith.index_cast %scan3A_75 : i32 to index
      %swap3A_127 = arith.constant 272 : index
      %swap3A_128 = tpu.vector_load %arg6[%swap3A_126, %swap3A_127] {strides = array<i32>} : memref<120x512xf32, #tpu.memory_space<vmem>>, vector<16xf32>,
      tpu.vector_store %arg6[%swap3A_126, %swap3A_127], %broadcast_in_dim3A_5 {strides = array<i32>} : memref<120x512xf32, #tpu.memory_space<vmem>>, vector<16xf32>,
      %swap3A_129 = arith.index_cast %scan3A_75 : i32 to index
      %swap3A_130 = arith.constant 288 : index
      %swap3A_131 = tpu.vector_load %arg6[%swap3A_129, %swap3A_130] {strides = array<i32>} : memref<120x512xf32, #tpu.memory_space<vmem>>, vector<16xf32>,
      tpu.vector_store %arg6[%swap3A_129, %swap3A_130], %broadcast_in_dim3A_5 {strides = array<i32>} : memref<120x512xf32, #tpu.memory_space<vmem>>, vector<16xf32>,
      %swap3A_132 = arith.index_cast %scan3A_75 : i32 to index
      %swap3A_133 = arith.constant 304 : index
      %swap3A_134 = tpu.vector_load %arg6[%swap3A_132, %swap3A_133] {strides = array<i32>} : memref<120x512xf32, #tpu.memory_space<vmem>>, vector<16xf32>,
      tpu.vector_store %arg6[%swap3A_132, %swap3A_133], %broadcast_in_dim3A_5 {strides = array<i32>} : memref<120x512xf32, #tpu.memory_space<vmem>>, vector<16xf32>,
      %swap3A_135 = arith.index_cast %scan3A_75 : i32 to index
      %swap3A_136 = arith.constant 320 : index
      %swap3A_137 = tpu.vector_load %arg6[%swap3A_135, %swap3A_136] {strides = array<i32>} : memref<120x512xf32, #tpu.memory_space<vmem>>, vector<16xf32>,
      tpu.vector_store %arg6[%swap3A_135, %swap3A_136], %broadcast_in_dim3A_5 {strides = array<i32>} : memref<120x512xf32, #tpu.memory_space<vmem>>, vector<16xf32>,
      %swap3A_138 = arith.index_cast %scan3A_75 : i32 to index
      %swap3A_139 = arith.constant 336 : index
      %swap3A_140 = tpu.vector_load %arg6[%swap3A_138, %swap3A_139] {strides = array<i32>} : memref<120x512xf32, #tpu.memory_space<vmem>>, vector<16xf32>,
      tpu.vector_store %arg6[%swap3A_138, %swap3A_139], %broadcast_in_dim3A_5 {strides = array<i32>} : memref<120x512xf32, #tpu.memory_space<vmem>>, vector<16xf32>,
      %swap3A_141 = arith.index_cast %scan3A_75 : i32 to index
      %swap3A_142 = arith.constant 352 : index
      %swap3A_143 = tpu.vector_load %arg6[%swap3A_141, %swap3A_142] {strides = array<i32>} : memref<120x512xf32, #tpu.memory_space<vmem>>, vector<16xf32>,
      tpu.vector_store %arg6[%swap3A_141, %swap3A_142], %broadcast_in_dim3A_5 {strides = array<i32>} : memref<120x512xf32, #tpu.memory_space<vmem>>, vector<16xf32>,
      %swap3A_144 = arith.index_cast %scan3A_75 : i32 to index
      %swap3A_145 = arith.constant 368 : index
      %swap3A_146 = tpu.vector_load %arg6[%swap3A_144, %swap3A_145] {strides = array<i32>} : memref<120x512xf32, #tpu.memory_space<vmem>>, vector<16xf32>,
      tpu.vector_store %arg6[%swap3A_144, %swap3A_145], %broadcast_in_dim3A_5 {strides = array<i32>} : memref<120x512xf32, #tpu.memory_space<vmem>>, vector<16xf32>,
      %swap3A_147 = arith.index_cast %scan3A_75 : i32 to index
      %swap3A_148 = arith.constant 384 : index
      %swap3A_149 = tpu.vector_load %arg6[%swap3A_147, %swap3A_148] {strides = array<i32>} : memref<120x512xf32, #tpu.memory_space<vmem>>, vector<16xf32>,
      tpu.vector_store %arg6[%swap3A_147, %swap3A_148], %broadcast_in_dim3A_5 {strides = array<i32>} : memref<120x512xf32, #tpu.memory_space<vmem>>, vector<16xf32>,
      %swap3A_150 = arith.index_cast %scan3A_75 : i32 to index
      %swap3A_151 = arith.constant 400 : index
      %swap3A_152 = tpu.vector_load %arg6[%swap3A_150, %swap3A_151] {strides = array<i32>} : memref<120x512xf32, #tpu.memory_space<vmem>>, vector<16xf32>,
      tpu.vector_store %arg6[%swap3A_150, %swap3A_151], %broadcast_in_dim3A_5 {strides = array<i32>} : memref<120x512xf32, #tpu.memory_space<vmem>>, vector<16xf32>,
      %swap3A_153 = arith.index_cast %scan3A_75 : i32 to index
      %swap3A_154 = arith.constant 416 : index
      %swap3A_155 = tpu.vector_load %arg6[%swap3A_153, %swap3A_154] {strides = array<i32>} : memref<120x512xf32, #tpu.memory_space<vmem>>, vector<16xf32>,
      tpu.vector_store %arg6[%swap3A_153, %swap3A_154], %broadcast_in_dim3A_5 {strides = array<i32>} : memref<120x512xf32, #tpu.memory_space<vmem>>, vector<16xf32>,
      %swap3A_156 = arith.index_cast %scan3A_75 : i32 to index
      %swap3A_157 = arith.constant 432 : index
      %swap3A_158 = tpu.vector_load %arg6[%swap3A_156, %swap3A_157] {strides = array<i32>} : memref<120x512xf32, #tpu.memory_space<vmem>>, vector<16xf32>,
      tpu.vector_store %arg6[%swap3A_156, %swap3A_157], %broadcast_in_dim3A_5 {strides = array<i32>} : memref<120x512xf32, #tpu.memory_space<vmem>>, vector<16xf32>,
      %swap3A_159 = arith.index_cast %scan3A_75 : i32 to index
      %swap3A_160 = arith.constant 448 : index
      %swap3A_161 = tpu.vector_load %arg6[%swap3A_159, %swap3A_160] {strides = array<i32>} : memref<120x512xf32, #tpu.memory_space<vmem>>, vector<16xf32>,
      tpu.vector_store %arg6[%swap3A_159, %swap3A_160], %broadcast_in_dim3A_5 {strides = array<i32>} : memref<120x512xf32, #tpu.memory_space<vmem>>, vector<16xf32>,
      %swap3A_162 = arith.index_cast %scan3A_75 : i32 to index
      %swap3A_163 = arith.constant 464 : index
      %swap3A_164 = tpu.vector_load %arg6[%swap3A_162, %swap3A_163] {strides = array<i32>} : memref<120x512xf32, #tpu.memory_space<vmem>>, vector<16xf32>,
      tpu.vector_store %arg6[%swap3A_162, %swap3A_163], %broadcast_in_dim3A_5 {strides = array<i32>} : memref<120x512xf32, #tpu.memory_space<vmem>>, vector<16xf32>,
      %swap3A_165 = arith.index_cast %scan3A_75 : i32 to index
      %swap3A_166 = arith.constant 480 : index
      %swap3A_167 = tpu.vector_load %arg6[%swap3A_165, %swap3A_166] {strides = array<i32>} : memref<120x512xf32, #tpu.memory_space<vmem>>, vector<16xf32>,
      tpu.vector_store %arg6[%swap3A_165, %swap3A_166], %broadcast_in_dim3A_5 {strides = array<i32>} : memref<120x512xf32, #tpu.memory_space<vmem>>, vector<16xf32>,
      %swap3A_168 = arith.index_cast %scan3A_75 : i32 to index
      %swap3A_169 = arith.constant 496 : index
      %swap3A_170 = tpu.vector_load %arg6[%swap3A_168, %swap3A_169] {strides = array<i32>} : memref<120x512xf32, #tpu.memory_space<vmem>>, vector<16xf32>,
      tpu.vector_store %arg6[%swap3A_168, %swap3A_169], %broadcast_in_dim3A_5 {strides = array<i32>} : memref<120x512xf32, #tpu.memory_space<vmem>>, vector<16xf32>,
    }
    %scan3A_25 = arith.constant 120 : i32
    %scan3A_26 = arith.constant 0 : i32
    %scan3A_27 = arith.constant 0 : i32
    %scan3A_28 = arith.constant 32 : i32
    %scan3A_29 = arith.addi %scan3A_27, %scan3A_28 : i32
    %scan3A_30 = arith.constant 1 : i32
    scf.for %scan3A_75 = %scan3A_27 to %scan3A_29 step %scan3A_30  : i32 {
      %mul3A_76 = arith.constant 16 : i32
      %mul3A_77 = arith.muli %scan3A_75, %mul3A_76 : i32
      %get3A = arith.index_cast %mul3A_77 : i32 to index
      %get3A_78 = tpu.vector_load %arg4[%get3A] {strides = array<i32>} : memref<512xi32, #tpu.memory_space<vmem>>, vector<16xi32>,
      %mul3A_79 = arith.constant 16 : i32
      %mul3A_80 = arith.muli %scan3A_75, %mul3A_79 : i32
      %add3A_81 = vector.broadcast %mul3A_80 : i32 to vector<16xi32>
      %add3A_82 = arith.addi %iota3A, %add3A_81 : vector<16xi32>
      %ge3A = arith.constant 120 : i32
      %ge3A_83 = vector.broadcast %ge3A : i32 to vector<16xi32>
      %ge3A_84 = arith.cmpi sge, %get3A_78, %ge3A_83 : vector<16xi32>
      %lt3A = arith.constant 240 : i32
      %lt3A_85 = vector.broadcast %lt3A : i32 to vector<16xi32>
      %lt3A_86 = arith.cmpi slt, %get3A_78, %lt3A_85 : vector<16xi32>
      %and3A = arith.andi %ge3A_84, %lt3A_86 : vector<16xi1>
      %sub3A = arith.constant 120 : i32
      %sub3A_87 = vector.broadcast %sub3A : i32 to vector<16xi32>
      %sub3A_88 = arith.subi %get3A_78, %sub3A_87 : vector<16xi32>
      tpu.vector_store_idx %arg6[%sub3A_88, %add3A_82], %broadcast_in_dim3A_3 masked %and3A : memref<120x512xf32, #tpu.memory_space<vmem>>[vector<16xi32>, vector<16xi32>], vector<16xf32>, vector<16xi1>
    }
    %scan3A_31 = arith.constant 32 : i32
    %dma_start3A_32 = arith.constant 120 : i32
    %dma_start3A_33 = tpu.memref_slice %arg3[%dma_start3A_32, %mul3A_2] : memref<1000x16384xf32, #tpu.memory_space<hbm>> -> memref<120x512xf32, #tpu.memory_space<hbm>>
    %dma_start3A_34 = arith.constant 120 : i32
    %dma_start3A_35 = tpu.memref_slice %arg3[%dma_start3A_34, %mul3A_2] : memref<1000x16384xf32, #tpu.memory_space<hbm>> -> memref<120x512xf32, #tpu.memory_space<hbm>>
    tpu.enqueue_dma source(%arg6 : memref<120x512xf32, #tpu.memory_space<vmem>>) target(%dma_start3A_35 : memref<120x512xf32, #tpu.memory_space<hbm>>) target_semaphore(%arg8 : memref<!tpu.dma_semaphore, #tpu.memory_space<semaphore_mem>>)
    %scan3A_36 = arith.constant 0 : i32
    %scan3A_37 = arith.constant 1 : i32
    %scan3A_38 = arith.constant 3 : i32
    %scan3A_39 = arith.addi %scan3A_37, %scan3A_38 : i32
    %scan3A_40 = arith.constant 1 : i32
    scf.for %scan3A_75 = %scan3A_37 to %scan3A_39 step %scan3A_40  : i32 {
      %mul3A_76 = arith.constant 2 : i32
      %mul3A_77 = arith.muli %scan3A_75, %mul3A_76 : i32
      %mul3A_78 = arith.constant 120 : i32
      %mul3A_79 = arith.muli %mul3A_77, %mul3A_78 : i32
      %multiple_of3A = tpu.assume_multiple %mul3A_79, 8 : i32
      %add3A_80 = arith.constant 120 : i32
      %add3A_81 = arith.addi %multiple_of3A, %add3A_80 : i32
      %dma_wait3A_82 = tpu.memref_slice %arg3[%multiple_of3A, %mul3A_2] : memref<1000x16384xf32, #tpu.memory_space<hbm>> -> memref<120x512xf32, #tpu.memory_space<hbm>>
      %dma_wait3A_83 = tpu.memref_slice %arg3[%multiple_of3A, %mul3A_2] : memref<1000x16384xf32, #tpu.memory_space<hbm>> -> memref<120x512xf32, #tpu.memory_space<hbm>>
      tpu.wait_dma2 semaphore(%arg7 : memref<!tpu.dma_semaphore, #tpu.memory_space<semaphore_mem>>) src(%arg5 : memref<120x512xf32, #tpu.memory_space<vmem>>) dst(%dma_wait3A_83 : memref<120x512xf32, #tpu.memory_space<hbm>>)
      %sub3A = arith.constant 240 : i32
      %sub3A_84 = arith.subi %multiple_of3A, %sub3A : i32
      %scan3A_85 = arith.constant 0 : i32
      %scan3A_86 = arith.constant 0 : i32
      %scan3A_87 = arith.constant 32 : i32
      %scan3A_88 = arith.addi %scan3A_86, %scan3A_87 : i32
      %scan3A_89 = arith.constant 1 : i32
      scf.for %scan3A_105 = %scan3A_86 to %scan3A_88 step %scan3A_89  : i32 {
        %mul3A_106 = arith.constant 16 : i32
        %mul3A_107 = arith.muli %scan3A_105, %mul3A_106 : i32
        %get3A = arith.index_cast %mul3A_107 : i32 to index
        %get3A_108 = tpu.vector_load %arg4[%get3A] {strides = array<i32>} : memref<512xi32, #tpu.memory_space<vmem>>, vector<16xi32>,
        %mul3A_109 = arith.constant 16 : i32
        %mul3A_110 = arith.muli %scan3A_105, %mul3A_109 : i32
        %add3A_111 = vector.broadcast %mul3A_110 : i32 to vector<16xi32>
        %add3A_112 = arith.addi %iota3A, %add3A_111 : vector<16xi32>
        %ge3A = vector.broadcast %sub3A_84 : i32 to vector<16xi32>
        %ge3A_113 = arith.cmpi sge, %get3A_108, %ge3A : vector<16xi32>
        %add3A_114 = arith.constant 120 : i32
        %add3A_115 = arith.addi %sub3A_84, %add3A_114 : i32
        %lt3A = vector.broadcast %add3A_115 : i32 to vector<16xi32>
        %lt3A_116 = arith.cmpi slt, %get3A_108, %lt3A : vector<16xi32>
        %and3A = arith.andi %ge3A_113, %lt3A_116 : vector<16xi1>
        %sub3A_117 = vector.broadcast %sub3A_84 : i32 to vector<16xi32>
        %sub3A_118 = arith.subi %get3A_108, %sub3A_117 : vector<16xi32>
        tpu.vector_store_idx %arg5[%sub3A_118, %add3A_112], %broadcast_in_dim3A_5 masked %and3A : memref<120x512xf32, #tpu.memory_space<vmem>>[vector<16xi32>, vector<16xi32>], vector<16xf32>, vector<16xi1>
        %ge3A_119 = vector.broadcast %multiple_of3A : i32 to vector<16xi32>
        %ge3A_120 = arith.cmpi sge, %get3A_108, %ge3A_119 : vector<16xi32>
        %add3A_121 = arith.constant 120 : i32
        %add3A_122 = arith.addi %multiple_of3A, %add3A_121 : i32
        %lt3A_123 = vector.broadcast %add3A_122 : i32 to vector<16xi32>
        %lt3A_124 = arith.cmpi slt, %get3A_108, %lt3A_123 : vector<16xi32>
        %and3A_125 = arith.andi %ge3A_120, %lt3A_124 : vector<16xi1>
        %sub3A_126 = vector.broadcast %multiple_of3A : i32 to vector<16xi32>
        %sub3A_127 = arith.subi %get3A_108, %sub3A_126 : vector<16xi32>
        tpu.vector_store_idx %arg5[%sub3A_127, %add3A_112], %broadcast_in_dim3A_3 masked %and3A_125 : memref<120x512xf32, #tpu.memory_space<vmem>>[vector<16xi32>, vector<16xi32>], vector<16xf32>, vector<16xi1>
      }
      %scan3A_90 = arith.constant 32 : i32
      %dma_start3A_91 = tpu.memref_slice %arg3[%multiple_of3A, %mul3A_2] : memref<1000x16384xf32, #tpu.memory_space<hbm>> -> memref<120x512xf32, #tpu.memory_space<hbm>>
      %dma_start3A_92 = tpu.memref_slice %arg3[%multiple_of3A, %mul3A_2] : memref<1000x16384xf32, #tpu.memory_space<hbm>> -> memref<120x512xf32, #tpu.memory_space<hbm>>
      tpu.enqueue_dma source(%arg5 : memref<120x512xf32, #tpu.memory_space<vmem>>) target(%dma_start3A_92 : memref<120x512xf32, #tpu.memory_space<hbm>>) target_semaphore(%arg7 : memref<!tpu.dma_semaphore, #tpu.memory_space<semaphore_mem>>)
      %dma_wait3A_93 = tpu.memref_slice %arg3[%add3A_81, %mul3A_2] : memref<1000x16384xf32, #tpu.memory_space<hbm>> -> memref<120x512xf32, #tpu.memory_space<hbm>>
      %dma_wait3A_94 = tpu.memref_slice %arg3[%add3A_81, %mul3A_2] : memref<1000x16384xf32, #tpu.memory_space<hbm>> -> memref<120x512xf32, #tpu.memory_space<hbm>>
      tpu.wait_dma2 semaphore(%arg8 : memref<!tpu.dma_semaphore, #tpu.memory_space<semaphore_mem>>) src(%arg6 : memref<120x512xf32, #tpu.memory_space<vmem>>) dst(%dma_wait3A_94 : memref<120x512xf32, #tpu.memory_space<hbm>>)
      %sub3A_95 = arith.constant 240 : i32
      %sub3A_96 = arith.subi %add3A_81, %sub3A_95 : i32
      %scan3A_97 = arith.constant 0 : i32
      %scan3A_98 = arith.constant 0 : i32
      %scan3A_99 = arith.constant 32 : i32
      %scan3A_100 = arith.addi %scan3A_98, %scan3A_99 : i32
      %scan3A_101 = arith.constant 1 : i32
      scf.for %scan3A_105 = %scan3A_98 to %scan3A_100 step %scan3A_101  : i32 {
        %mul3A_106 = arith.constant 16 : i32
        %mul3A_107 = arith.muli %scan3A_105, %mul3A_106 : i32
        %get3A = arith.index_cast %mul3A_107 : i32 to index
        %get3A_108 = tpu.vector_load %arg4[%get3A] {strides = array<i32>} : memref<512xi32, #tpu.memory_space<vmem>>, vector<16xi32>,
        %mul3A_109 = arith.constant 16 : i32
        %mul3A_110 = arith.muli %scan3A_105, %mul3A_109 : i32
        %add3A_111 = vector.broadcast %mul3A_110 : i32 to vector<16xi32>
        %add3A_112 = arith.addi %iota3A, %add3A_111 : vector<16xi32>
        %ge3A = vector.broadcast %sub3A_96 : i32 to vector<16xi32>
        %ge3A_113 = arith.cmpi sge, %get3A_108, %ge3A : vector<16xi32>
        %add3A_114 = arith.constant 120 : i32
        %add3A_115 = arith.addi %sub3A_96, %add3A_114 : i32
        %lt3A = vector.broadcast %add3A_115 : i32 to vector<16xi32>
        %lt3A_116 = arith.cmpi slt, %get3A_108, %lt3A : vector<16xi32>
        %and3A = arith.andi %ge3A_113, %lt3A_116 : vector<16xi1>
        %sub3A_117 = vector.broadcast %sub3A_96 : i32 to vector<16xi32>
        %sub3A_118 = arith.subi %get3A_108, %sub3A_117 : vector<16xi32>
        tpu.vector_store_idx %arg6[%sub3A_118, %add3A_112], %broadcast_in_dim3A_5 masked %and3A : memref<120x512xf32, #tpu.memory_space<vmem>>[vector<16xi32>, vector<16xi32>], vector<16xf32>, vector<16xi1>
        %ge3A_119 = vector.broadcast %add3A_81 : i32 to vector<16xi32>
        %ge3A_120 = arith.cmpi sge, %get3A_108, %ge3A_119 : vector<16xi32>
        %add3A_121 = arith.constant 120 : i32
        %add3A_122 = arith.addi %add3A_81, %add3A_121 : i32
        %lt3A_123 = vector.broadcast %add3A_122 : i32 to vector<16xi32>
        %lt3A_124 = arith.cmpi slt, %get3A_108, %lt3A_123 : vector<16xi32>
        %and3A_125 = arith.andi %ge3A_120, %lt3A_124 : vector<16xi1>
        %sub3A_126 = vector.broadcast %add3A_81 : i32 to vector<16xi32>
        %sub3A_127 = arith.subi %get3A_108, %sub3A_126 : vector<16xi32>
        tpu.vector_store_idx %arg6[%sub3A_127, %add3A_112], %broadcast_in_dim3A_3 masked %and3A_125 : memref<120x512xf32, #tpu.memory_space<vmem>>[vector<16xi32>, vector<16xi32>], vector<16xf32>, vector<16xi1>
      }
      %scan3A_102 = arith.constant 32 : i32
      %dma_start3A_103 = tpu.memref_slice %arg3[%add3A_81, %mul3A_2] : memref<1000x16384xf32, #tpu.memory_space<hbm>> -> memref<120x512xf32, #tpu.memory_space<hbm>>
      %dma_start3A_104 = tpu.memref_slice %arg3[%add3A_81, %mul3A_2] : memref<1000x16384xf32, #tpu.memory_space<hbm>> -> memref<120x512xf32, #tpu.memory_space<hbm>>
      tpu.enqueue_dma source(%arg6 : memref<120x512xf32, #tpu.memory_space<vmem>>) target(%dma_start3A_104 : memref<120x512xf32, #tpu.memory_space<hbm>>) target_semaphore(%arg8 : memref<!tpu.dma_semaphore, #tpu.memory_space<semaphore_mem>>)
    }
    %scan3A_41 = arith.constant 3 : i32
    %dma_wait3A = arith.constant 720 : i32
    %dma_wait3A_42 = tpu.memref_slice %arg3[%dma_wait3A, %mul3A_2] : memref<1000x16384xf32, #tpu.memory_space<hbm>> -> memref<120x512xf32, #tpu.memory_space<hbm>>
    %dma_wait3A_43 = arith.constant 720 : i32
    %dma_wait3A_44 = tpu.memref_slice %arg3[%dma_wait3A_43, %mul3A_2] : memref<1000x16384xf32, #tpu.memory_space<hbm>> -> memref<120x512xf32, #tpu.memory_space<hbm>>
    tpu.wait_dma2 semaphore(%arg7 : memref<!tpu.dma_semaphore, #tpu.memory_space<semaphore_mem>>) src(%arg5 : memref<120x512xf32, #tpu.memory_space<vmem>>) dst(%dma_wait3A_44 : memref<120x512xf32, #tpu.memory_space<hbm>>)
    %scan3A_45 = arith.constant 0 : i32
    %scan3A_46 = arith.constant 0 : i32
    %scan3A_47 = arith.constant 32 : i32
    %scan3A_48 = arith.addi %scan3A_46, %scan3A_47 : i32
    %scan3A_49 = arith.constant 1 : i32
    scf.for %scan3A_75 = %scan3A_46 to %scan3A_48 step %scan3A_49  : i32 {
      %mul3A_76 = arith.constant 16 : i32
      %mul3A_77 = arith.muli %scan3A_75, %mul3A_76 : i32
      %get3A = arith.index_cast %mul3A_77 : i32 to index
      %get3A_78 = tpu.vector_load %arg4[%get3A] {strides = array<i32>} : memref<512xi32, #tpu.memory_space<vmem>>, vector<16xi32>,
      %mul3A_79 = arith.constant 16 : i32
      %mul3A_80 = arith.muli %scan3A_75, %mul3A_79 : i32
      %add3A_81 = vector.broadcast %mul3A_80 : i32 to vector<16xi32>
      %add3A_82 = arith.addi %iota3A, %add3A_81 : vector<16xi32>
      %ge3A = arith.constant 720 : i32
      %ge3A_83 = vector.broadcast %ge3A : i32 to vector<16xi32>
      %ge3A_84 = arith.cmpi sge, %get3A_78, %ge3A_83 : vector<16xi32>
      %lt3A = arith.constant 840 : i32
      %lt3A_85 = vector.broadcast %lt3A : i32 to vector<16xi32>
      %lt3A_86 = arith.cmpi slt, %get3A_78, %lt3A_85 : vector<16xi32>
      %and3A = arith.andi %ge3A_84, %lt3A_86 : vector<16xi1>
      %sub3A = arith.constant 720 : i32
      %sub3A_87 = vector.broadcast %sub3A : i32 to vector<16xi32>
      %sub3A_88 = arith.subi %get3A_78, %sub3A_87 : vector<16xi32>
      tpu.vector_store_idx %arg5[%sub3A_88, %add3A_82], %broadcast_in_dim3A_5 masked %and3A : memref<120x512xf32, #tpu.memory_space<vmem>>[vector<16xi32>, vector<16xi32>], vector<16xf32>, vector<16xi1>
      %ge3A_89 = arith.constant 960 : i32
      %ge3A_90 = vector.broadcast %ge3A_89 : i32 to vector<16xi32>
      %ge3A_91 = arith.cmpi sge, %get3A_78, %ge3A_90 : vector<16xi32>
      %lt3A_92 = arith.constant 1000 : i32
      %lt3A_93 = vector.broadcast %lt3A_92 : i32 to vector<16xi32>
      %lt3A_94 = arith.cmpi slt, %get3A_78, %lt3A_93 : vector<16xi32>
      %and3A_95 = arith.andi %ge3A_91, %lt3A_94 : vector<16xi1>
      %sub3A_96 = arith.constant 960 : i32
      %sub3A_97 = vector.broadcast %sub3A_96 : i32 to vector<16xi32>
      %sub3A_98 = arith.subi %get3A_78, %sub3A_97 : vector<16xi32>
      tpu.vector_store_idx %arg5[%sub3A_98, %add3A_82], %broadcast_in_dim3A_3 masked %and3A_95 : memref<120x512xf32, #tpu.memory_space<vmem>>[vector<16xi32>, vector<16xi32>], vector<16xf32>, vector<16xi1>
    }
    %scan3A_50 = arith.constant 32 : i32
    %dma_start3A_51 = arith.constant 0 : i32
    %dma_start3A_52 = arith.constant 0 : i32
    %dma_start3A_53 = tpu.memref_slice %arg5[%dma_start3A_51, %dma_start3A_52] : memref<120x512xf32, #tpu.memory_space<vmem>> -> memref<40x512xf32, #tpu.memory_space<vmem>>
    %dma_start3A_54 = arith.constant 960 : i32
    %dma_start3A_55 = tpu.memref_slice %arg3[%dma_start3A_54, %mul3A_2] : memref<1000x16384xf32, #tpu.memory_space<hbm>> -> memref<40x512xf32, #tpu.memory_space<hbm>>
    %dma_start3A_56 = arith.constant 960 : i32
    %dma_start3A_57 = tpu.memref_slice %arg3[%dma_start3A_56, %mul3A_2] : memref<1000x16384xf32, #tpu.memory_space<hbm>> -> memref<40x512xf32, #tpu.memory_space<hbm>>
    %dma_start3A_58 = arith.constant 0 : i32
    %dma_start3A_59 = arith.constant 0 : i32
    %dma_start3A_60 = tpu.memref_slice %arg5[%dma_start3A_58, %dma_start3A_59] : memref<120x512xf32, #tpu.memory_space<vmem>> -> memref<40x512xf32, #tpu.memory_space<vmem>>
    tpu.enqueue_dma source(%dma_start3A_60 : memref<40x512xf32, #tpu.memory_space<vmem>>) target(%dma_start3A_57 : memref<40x512xf32, #tpu.memory_space<hbm>>) target_semaphore(%arg7 : memref<!tpu.dma_semaphore, #tpu.memory_space<semaphore_mem>>)
    %dma_wait3A_61 = arith.constant 840 : i32
    %dma_wait3A_62 = tpu.memref_slice %arg3[%dma_wait3A_61, %mul3A_2] : memref<1000x16384xf32, #tpu.memory_space<hbm>> -> memref<120x512xf32, #tpu.memory_space<hbm>>
    %dma_wait3A_63 = arith.constant 840 : i32
    %dma_wait3A_64 = tpu.memref_slice %arg3[%dma_wait3A_63, %mul3A_2] : memref<1000x16384xf32, #tpu.memory_space<hbm>> -> memref<120x512xf32, #tpu.memory_space<hbm>>
    tpu.wait_dma2 semaphore(%arg8 : memref<!tpu.dma_semaphore, #tpu.memory_space<semaphore_mem>>) src(%arg6 : memref<120x512xf32, #tpu.memory_space<vmem>>) dst(%dma_wait3A_64 : memref<120x512xf32, #tpu.memory_space<hbm>>)
    %dma_wait3A_65 = arith.constant 0 : i32
    %dma_wait3A_66 = arith.constant 0 : i32
    %dma_wait3A_67 = tpu.memref_slice %arg5[%dma_wait3A_65, %dma_wait3A_66] : memref<120x512xf32, #tpu.memory_space<vmem>> -> memref<40x512xf32, #tpu.memory_space<vmem>>
    %dma_wait3A_68 = arith.constant 960 : i32
    %dma_wait3A_69 = tpu.memref_slice %arg3[%dma_wait3A_68, %mul3A_2] : memref<1000x16384xf32, #tpu.memory_space<hbm>> -> memref<40x512xf32, #tpu.memory_space<hbm>>
    %dma_wait3A_70 = arith.constant 960 : i32
    %dma_wait3A_71 = tpu.memref_slice %arg3[%dma_wait3A_70, %mul3A_2] : memref<1000x16384xf32, #tpu.memory_space<hbm>> -> memref<40x512xf32, #tpu.memory_space<hbm>>
    %dma_wait3A_72 = arith.constant 0 : i32
    %dma_wait3A_73 = arith.constant 0 : i32
    %dma_wait3A_74 = tpu.memref_slice %arg5[%dma_wait3A_72, %dma_wait3A_73] : memref<120x512xf32, #tpu.memory_space<vmem>> -> memref<40x512xf32, #tpu.memory_space<vmem>>
    tpu.wait_dma2 semaphore(%arg7 : memref<!tpu.dma_semaphore, #tpu.memory_space<semaphore_mem>>) src(%dma_wait3A_74 : memref<40x512xf32, #tpu.memory_space<vmem>>) dst(%dma_wait3A_71 : memref<40x512xf32, #tpu.memory_space<hbm>>)
    return
  }
}

</mosaic_0001>

<sc_bundles>
// kernel: _onehot_sc.3.cloned.1.call-start
scs
__scs_entry_jumppad:
0x0: {  	(pc) =	sbr.rel $0x88, $3  }
0x1: {  	(tag) =	ssettag $0x0;
	lr =	simm.s32 $0x1  }
0x2: {  	[smem:$0x3FA0] =	sst lr;
	_ =	strace $0xD0000000  }
0x3: {  	_ = 	snop  }
0x4: {  	_ = 	snop  }
0x5: {  	_ = 	snop  }
0x6: {  	_ = 	snop  }
0x7: {  	_ = 	snop  }
__scs_overlays_trampoline_lowered:
0x8: {  	[smem:$0x3FAF] =	sst s0  }
0x9: {  	[smem:$0x3FB0] =	sst s1  }
0xa: {  	[smem:$0x3FB1] =	sst s2  }
0xb: {  	[smem:$0x3FB2] =	sst s3  }
0xc: {  	[smem:$0x3FB3] =	sst s4  }
0xd: {  	[smem:$0x3FB4] =	sst s5  }
0xe: {  	[smem:$0x3FB5] =	sst s6  }
0xf: {  	[smem:$0x3FB6] =	sst s7  }
0x10: {  	[smem:$0x3FB7] =	sst s8  }
0x11: {  	[smem:$0x3FB8] =	sst s9;
	s0 =	simm.s32 @!p0 $0x0  }
0x12: {  	s1 =	sld [smem:$0x3F9E];
	s0 =	simm.s32 @p0 $0x1  }
0x13: {  	[smem:$0x3FB9] =	sst s0;
	s0 =	simm.s32 @!p1 $0x0  }
0x14: {  	s2 =	sld [smem:$0x3F9D];
	s0 =	simm.s32 @p1 $0x1  }
0x15: {  	[smem:$0x3FBA] =	sst s0;
	s0 =	simm.s32 @!p2 $0x0  }
0x16: {  	s3 =	sld [smem:$0x3FDB];
	s0 =	simm.s32 @p2 $0x1  }
0x17: {  	s4 =	simm.s32 $0x1BF5;
	[smem:$0x3FBC] =	sst s0  }
0x18: {  	s0 =	sld [smem:$0x3F9F];
	_ =	swait.ge [sflag:s4], $0x0  }
0x19: {  	s7 =	sld [smem:$0x3FA0]  }
0x1a: {  	s8 =	sadd.s32 $0xFFFFE003, lr  }
0x1b: {  	s9 =	sadd.s32 $0xFFFFFEF7, lr;
	s5 =	simm.s32 $0xFFFFFFFF;
	p2 =	slt.u32 s8, $0xFFFFF086  }
0x1c: {  	p1 =	slt.u32 s9, $0xF7A;
	s5 =	simm.s32 @!p2 $0x0  }
0x1d: {  	s5 =	simm.s32 @p1 $0x1;
	p0 =	seq.s32 s7, s2  }
0x1e: {  	s7 =	smul.u32 @!p0 $0xF7A, s2;
	p2 =	seq.s32 @!p0 s5, $0x0  }
0x1f: {  	s9 =	smul.u32 $0xF7A, s1;
	s8 =	simm.s32 @!p0 $0x1BF5;
	p2 =	por !p2, p0  }
0x20: {  	[sflag:s8] =	ssyncset.s32 @!p0 $0xFFFFF086;
	s6 =	sadd.s32 @!p0 s3, s7;
	s7 =	simm.s32 @!p0 $0x108  }
0x21: {  	s3 =	sadd.s32 s3, s9;
	s6 =	sadd.s32 @!p0 $0x88, s6;
	s7 =	simm.s32 @p2 $0x1082  }
0x22: {  	[simem:s7], [sflag:s8] =	dma.local @!p0 [hbm:s6], $0xF7A  }
0x23: {  	s9 =	sor.u32 $0xD0000000, s2;
	s6 =	simm.s32 $0x108;
	_ =	swait.ge @!p0 [sflag:s8], $0x0  }
0x24: {  	s3 =	sadd.s32 $0x88, s3;
	s6 =	simm.s32 @!p1 $0x1082;
	[sflag:s4] =	ssyncset.s32 $0xFFFFF086  }
0x25: {  	[simem:s6], [sflag:s4] =	dma.local [hbm:s3], $0xF7A  }
0x26: {  	[smem:$0x3FA0] =	sst s1;
	(tag) =	ssettag s2;
	_ =	strace s9  }
0x27: {  	s1 =	sld [smem:$0x3FB0]  }
0x28: {  	s2 =	sld [smem:$0x3FB1]  }
0x29: {  	s4 =	sld [smem:$0x3FB3]  }
0x2a: {  	p0 =	seq.s32 s5, $0x0;
	s5 =	sld [smem:$0x3FB4]  }
0x2b: {  	s6 =	sld [smem:$0x3FB5]  }
0x2c: {  	s7 =	sld [smem:$0x3FB6]  }
0x2d: {  	s3 =	simm.s32 $0x108;
	s8 =	sld [smem:$0x3FB7]  }
0x2e: {  	s3 =	simm.s32 @!p0 $0x1082;
	s9 =	sld [smem:$0x3FB8]  }
0x2f: {  	lr =	sadd.s32 s0, s3;
	s0 =	sld [smem:$0x3FAF]  }
0x30: {  	s3 =	sld [smem:$0x3FB2]  }
0x31: {  	[smem:$0x3FBB] =	sst s10  }
0x32: {  	s10 =	sld [smem:$0x3FB9];
	_ =	sdelay $0x3  }
0x33: {  	p0 =	seq.s32 s10, $0x1;
	s10 =	sld [smem:$0x3FBB];
	_ =	sdelay $0x3  }
0x34: {  	[smem:$0x3FBB] =	sst s10  }
0x35: {  	s10 =	sld [smem:$0x3FBA];
	_ =	sdelay $0x3  }
0x36: {  	p1 =	seq.s32 s10, $0x1;
	s10 =	sld [smem:$0x3FBB];
	_ =	sdelay $0x3  }
0x37: {  	[smem:$0x3FBB] =	sst s10  }
0x38: {  	s10 =	sld [smem:$0x3FBC]  }
0x39: {  	_ = 	snop;
	(pc) =	sbr.ind lr, $3  }
0x3a: {  	_ = 	snop  }
0x3b: {  	_ = 	snop  }
0x3c: {  	p2 =	seq.s32 s10, $0x1;
	s10 =	sld [smem:$0x3FBB]  }
0x3d: {  	_ =	shalt  }
0x3e: {  	_ =	shalt  }
0x3f: {  	_ =	shalt  }
0x40: {  	_ =	shalt  }
0x41: {  	_ =	shalt  }
0x42: {  	_ =	shalt  }
0x43: {  	_ =	shalt  }
0x44: {  	_ =	shalt  }
0x45: {  	_ =	shalt  }
0x46: {  	_ =	shalt  }
0x47: {  	_ =	shalt  }
0x48: {  	_ =	shalt  }
0x49: {  	_ =	shalt  }
0x4a: {  	_ =	shalt  }
0x4b: {  	_ =	shalt  }
0x4c: {  	_ =	shalt  }
0x4d: {  	_ =	shalt  }
0x4e: {  	_ =	shalt  }
0x4f: {  	_ =	shalt  }
0x50: {  	_ =	shalt  }
0x51: {  	_ =	shalt  }
0x52: {  	_ =	shalt  }
0x53: {  	_ =	shalt  }
0x54: {  	_ =	shalt  }
0x55: {  	_ =	shalt  }
0x56: {  	_ =	shalt  }
0x57: {  	_ =	shalt  }
0x58: {  	_ =	shalt  }
0x59: {  	_ =	shalt  }
0x5a: {  	_ =	shalt  }
0x5b: {  	_ =	shalt  }
0x5c: {  	_ =	shalt  }
0x5d: {  	_ =	shalt  }
0x5e: {  	_ =	shalt  }
0x5f: {  	_ =	shalt  }
0x60: {  	_ =	shalt  }
0x61: {  	_ =	shalt  }
0x62: {  	_ =	shalt  }
0x63: {  	_ =	shalt  }
0x64: {  	_ =	shalt  }
0x65: {  	_ =	shalt  }
0x66: {  	_ =	shalt  }
0x67: {  	_ =	shalt  }
0x68: {  	_ =	shalt  }
0x69: {  	_ =	shalt  }
0x6a: {  	_ =	shalt  }
0x6b: {  	_ =	shalt  }
0x6c: {  	_ =	shalt  }
0x6d: {  	_ =	shalt  }
0x6e: {  	_ =	shalt  }
0x6f: {  	_ =	shalt  }
0x70: {  	_ =	shalt  }
0x71: {  	_ =	shalt  }
0x72: {  	_ =	shalt  }
0x73: {  	_ =	shalt  }
0x74: {  	_ =	shalt  }
0x75: {  	_ =	shalt  }
0x76: {  	_ =	shalt  }
0x77: {  	_ =	shalt  }
0x78: {  	_ =	shalt  }
0x79: {  	_ =	shalt  }
0x7a: {  	_ =	shalt  }
0x7b: {  	_ =	shalt  }
0x7c: {  	_ =	shalt  }
0x7d: {  	_ =	shalt  }
0x7e: {  	_ =	shalt  }
0x7f: {  	_ =	shalt  }
0x80: {  	_ =	shalt  }
0x81: {  	_ =	shalt  }
0x82: {  	_ =	shalt  }
0x83: {  	_ =	shalt  }
0x84: {  	_ =	shalt  }
0x85: {  	_ =	shalt  }
0x86: {  	_ =	shalt  }
0x87: {  	_ =	shalt  }
.Lfunc_end0:
.L_simem_size_0:
called_computation_lowered:
.L_overlay_start_0:
0x88: {  	s2 =	sld [smem:$0x3FD9]  }
0x89: {  	s3 =	sld [smem:$0x3FFE];
	_ =	sdelay $0x1  }
0x8a: {  	s1 =	srdreg.scid  }
0x8b: {  	s0 =	sand.u32 $0x1, s1  }
0x8c: {  	s18 =	sshll.u32 s0, $0xA;
	s2 =	sadd.s32 s3, s2  }
0x8d: {  	s2 =	sadd.s32 s2, s18  }
0x8e: {  	[smem:$0x3FC7] =	sst s2  }
0x8f: {  	_ = 	snop  }
0x90: {  	s2 =	sld [smem:$0x3FC9]  }
0x91: {  	s19 =	sld [smem:$0x3FD0];
	(tm) =	ssettm $0x1  }
0x92: {  	s4 =	sld [smem:$0x3FFB];
	_ =	sdelay $0x3  }
0x93: {  	_ =	strace s4  }
0x94: {  	s4 =	sld [smem:$0x3FFC];
	_ =	sdelay $0x3  }
0x95: {  	_ =	strace s4  }
0x96: {  	s4 =	sld [smem:$0x3FFD];
	_ =	sdelay $0x3  }
0x97: {  	_ =	strace s4  }
0x98: {  	_ =	strace $0x8FFFFFFF  }
0x99: {  	s20 =	sld [smem:$0x3FDB];
	_ =	sdelay $0x1  }
0x9a: {  	s5 =	simm.s32 $_scs_section_size  }
0x9b: {  	s6 =	simm.s32 $_size__tile_overlayer_lowered;
	s7 =	simm.s32 $_tile_overlayer_lowered  }
0x9c: {  	s23 =	simm.s32 $0x1BFF;
	s22 =	sshll.u32 s7, $0x1;
	s4 =	sadd.s32 s5, s20  }
0x9d: {  	s8 =	simm.s32 $0x0;
	s21 =	sshll.u32 s6, $0x1;
	s6 =	sadd.s32 s22, s4  }
0x9e: {  	[timem:s8], [sflag:s23] =	dma.local [hbm:s6], s21  }
0x9f: {  	_ =	swait.ge [sflag:s23], s21  }
0xa0: {  	s5 =	ssub.s32 $0x0, s21;
	[sflag:s23] =	ssyncset.done $0x0  }
0xa1: {  	[sflag:s23] =	ssyncadd.s32 s5;
	_ =	sdelay $0x1  }
0xa2: {  	s24 =	simm.s32 $0x1B8B  }
0xa3: {  	_ =	swait.ge [sflag:s24], $0x1  }
0xa4: {  	[sflag:s24] =	ssyncset.done $0x0  }
0xa5: {  	s25 =	simm.s32 $0x1B8E;
	[sflag:s24] =	ssyncadd.s32 $0xFFFFFFFF  }
0xa6: {  	s26 =	simm.s32 $execute0_lowered;
	[smem:$0x3FD2] =	sst s25  }
0xa7: {  	s5 =	sshll.u32 s26, $0x1;
	_ =	strace $0x80000046;
	[dreg:$0x1] =	wrdreg $0xFFFFFFFF  }
0xa8: {  	s28 =	simm.s32 $_size_execute0_lowered;
	s4 =	sadd.s32 s4, s5;
	[dreg:$0x0] =	wrdreg $0x0  }
0xa9: {  	s5 =	sshll.u32 s28, $0x1;
	[dreg:$0x2] =	wrdreg s4  }
0xaa: {  	[dreg:$0x3] =	wrdreg s5  }
0xab: {  	[dreg:$0x4] =	wrdreg $0xC0  }
0xac: {  	_ =	task [dreg:s8], $0x5FFFF  }
0xad: {  	[dreg:$0x1] =	wrdreg $0xFFFFFFFF  }
0xae: {  	[dreg:$0x0] =	wrdreg $0x60  }
0xaf: {  	[dreg:$0x2] =	wrdreg s2  }
0xb0: {  	[dreg:$0x3] =	wrdreg s19  }
0xb1: {  	[dreg:$0x4] =	wrdreg $0x9  }
0xb2: {  	_ =	task.clear_ibuf [dreg:s8], $0x5FFFF;
	_ =	strace $0x90000046  }
0xb3: {  	s29 =	simm.s32 $0x9;
	_ =	strace $0x80000048  }
0xb4: {  	_ =	swait.ge [sflag:s29], $0x1  }
0xb5: {  	[sflag:s29] =	ssyncadd.s32 $0xFFFFFFFF  }
0xb6: {  	_ =	strace $0x90000048  }
0xb7: {  	_ =	sfence  }
0xb8: {  	s30 =	sld [smem:$0x0];
	_ =	sdelay $0x2  }
0xb9: {  	s31 =	sshll.u32 s1, $0xD;
	s1 =	sshrl.u32 s1, $0x2  }
0xba: {  	s3 =	sand.u32 $0x4000, s31;
	s1 =	sadd.s32 s1, s30  }
0xbb: {  	s0 =	sor.u32 s3, s0;
	s1 =	sshll.u32 s1, $0x11  }
0xbc: {  	s0 =	sor.u32 s1, s0  }
0xbd: {  	s0 =	sadd.s32 $0x8F2B, s0  }
0xbe: {  	[sflag:s0] =	ssyncadd.remote.s32 $0x1  }
0xbf: {  	_ =	sfence.sel $0xFFFF  }
0xc0: {  	[dreg:$0x0] =	wrdreg $0xFFFFFFFF;
	(pc) =	sbr.abs _section_cstart, $3  }
0xc1: {  	[dreg:$0x1] =	wrdreg $0xFFFFFFFF  }
0xc2: {  	_ =	task.clear_ibuf [dreg:s8], $0x2FFFF;
	_ =	strace $0x9FFFFFFF  }
0xc3: {  	(tm) =	ssettm $0x7FFFFFFF  }
tec
execute0_lowered:
.L_overlay_start_1:
0x0: {  	(tag) =	ssettag $0x1  }
0x1: {  	s4 =	rddreg [dreg:$0x0]  }
0x2: {  	s3 =	rddreg [dreg:$0x1]  }
0x3: {  	s0 =	rddreg [dreg:$0x2];
	s2 =	simm.s32 $0x0;
	s5 =	srdreg.scid  }
0x4: {  	s1 =	stileid.u32;
	s9 =	simm.s32 $0x200;
	s10 =	simm.s32 $0x1000  }
0x5: {  	s11 =	simm.s32 $0x20000;
	s12 =	simm.s32 $0xF200;
	s13 =	simm.s32 $0x1  }
0x6: {  	s14 =	simm.s32 $0x2;
	s15 =	simm.s32 $0x0;
	s5 =	sand.u32 $0x1, s5  }
0x7: {  	s7 =	sshll.u32 s1, $0xA;
	s6 =	ssub.s32 $0x2, s5;
	s5 =	sshll.u32 s5, $0x9  }
0x8: {  	[smem:$0x7FF] =	sst s2;
	s8 =	sshrl.u32 s6, $0x1;
	s5 =	sor.u32 s5, s7  }
0x9: {  	_ =	strace $0x80000047;
	s30 =	ssub.s32 s6, s8;
	s31 =	sshrl.u32 s5, $0x3  }
0xa: {  	s3 =	sadd.s32 s3, s5;
	s8 =	simm.s32 $0x3;
	s4 =	sadd.s32 s4, s31  }
0xb: {  	v0 =	vimm.f32 $0.0e+00;
	v1 =	vlaneseq.u32;
	v2 =	vimm.f32 $1.000000000e+00;
	s5 =	sadd.s32 $0x3C000, s3;
	s6 =	sadd.s32 $0x1E0000, s3;
	s7 =	smax.u32 s30, $0x1  }
.LBB2_1:
0xc: {  	[tilespmem:s2], [sflag:$0x3] =	stream.linear.gather [hbm4b:s4+s2], $0x200, $0x38;
	[tilespmem:$0x1E200] =	vst v63  }
0xd: {  	_ =	swait.ge [sflag:s8], $0x200  }
0xe: {  	s16 =	sand.u32 $0xF000, s2;
	s17 =	sand.u32 $0x380, s2;
	[sflag:s8] =	ssyncset.done $0x0  }
0xf: {  	s16 =	sor.u32 s17, s16;
	[sflag:s8] =	ssyncadd.s32 $0xFFFFFE00  }
0x10: {  	[tilespmem:s16+$0xE70] =	vst v0  }
0x11: {  	[tilespmem:s16+$0x200] =	vst v0  }
0x12: {  	[tilespmem:s16+$0x210] =	vst v0  }
0x13: {  	[tilespmem:s16+$0x220] =	vst v0  }
0x14: {  	[tilespmem:s16+$0x230] =	vst v0  }
0x15: {  	[tilespmem:s16+$0x240] =	vst v0  }
0x16: {  	[tilespmem:s16+$0x250] =	vst v0  }
0x17: {  	[tilespmem:s16+$0x260] =	vst v0  }
0x18: {  	[tilespmem:s16+$0x270] =	vst v0  }
0x19: {  	[tilespmem:s16+$0x600] =	vst v0  }
0x1a: {  	[tilespmem:s16+$0x610] =	vst v0  }
0x1b: {  	[tilespmem:s16+$0x620] =	vst v0  }
0x1c: {  	[tilespmem:s16+$0x630] =	vst v0  }
0x1d: {  	[tilespmem:s16+$0x640] =	vst v0  }
0x1e: {  	[tilespmem:s16+$0x650] =	vst v0  }
0x1f: {  	[tilespmem:s16+$0x660] =	vst v0  }
0x20: {  	[tilespmem:s16+$0x670] =	vst v0  }
0x21: {  	[tilespmem:s16+$0xA00] =	vst v0  }
0x22: {  	[tilespmem:s16+$0xA10] =	vst v0  }
0x23: {  	[tilespmem:s16+$0xA20] =	vst v0  }
0x24: {  	[tilespmem:s16+$0xA30] =	vst v0  }
0x25: {  	[tilespmem:s16+$0xA40] =	vst v0  }
0x26: {  	[tilespmem:s16+$0xA50] =	vst v0  }
0x27: {  	[tilespmem:s16+$0xA60] =	vst v0  }
0x28: {  	[tilespmem:s16+$0xA70] =	vst v0  }
0x29: {  	[tilespmem:s16+$0xE00] =	vst v0  }
0x2a: {  	[tilespmem:s16+$0xE10] =	vst v0  }
0x2b: {  	[tilespmem:s16+$0xE20] =	vst v0  }
0x2c: {  	[tilespmem:s16+$0xE30] =	vst v0  }
0x2d: {  	s18 =	simm.s32 $0x200;
	s17 =	simm.s32 $0x80;
	[tilespmem:s16+$0xE40] =	vst v0  }
0x2e: {  	s19 =	sand.u32 $0xF000, s18;
	s18 =	simm.s32 $0x400;
	s20 =	sand.u32 $0x380, s17;
	[tilespmem:s16+$0xE50] =	vst v0  }
.LBB2_2:
0x2f: {  	p0 =	sne.s32 s18, $0xEE00;
	[tilespmem:s16+$0xE60] =	vst v0;
	s16 =	sor.u32 s20, s19  }
0x30: {  	[tilespmem:s16+$0xE70] =	vst v0  }
0x31: {  	[tilespmem:s16+$0x200] =	vst v0  }
0x32: {  	[tilespmem:s16+$0x210] =	vst v0  }
0x33: {  	[tilespmem:s16+$0x220] =	vst v0  }
0x34: {  	[tilespmem:s16+$0x230] =	vst v0  }
0x35: {  	[tilespmem:s16+$0x240] =	vst v0  }
0x36: {  	[tilespmem:s16+$0x250] =	vst v0  }
0x37: {  	[tilespmem:s16+$0x260] =	vst v0  }
0x38: {  	[tilespmem:s16+$0x270] =	vst v0  }
0x39: {  	[tilespmem:s16+$0x600] =	vst v0  }
0x3a: {  	[tilespmem:s16+$0x610] =	vst v0  }
0x3b: {  	[tilespmem:s16+$0x620] =	vst v0  }
0x3c: {  	[tilespmem:s16+$0x630] =	vst v0  }
0x3d: {  	[tilespmem:s16+$0x640] =	vst v0  }
0x3e: {  	[tilespmem:s16+$0x650] =	vst v0  }
0x3f: {  	[tilespmem:s16+$0x660] =	vst v0  }
0x40: {  	[tilespmem:s16+$0x670] =	vst v0  }
0x41: {  	[tilespmem:s16+$0xA00] =	vst v0  }
0x42: {  	[tilespmem:s16+$0xA10] =	vst v0  }
0x43: {  	[tilespmem:s16+$0xA20] =	vst v0  }
0x44: {  	[tilespmem:s16+$0xA30] =	vst v0  }
0x45: {  	[tilespmem:s16+$0xA40] =	vst v0  }
0x46: {  	[tilespmem:s16+$0xA50] =	vst v0  }
0x47: {  	[tilespmem:s16+$0xA60] =	vst v0  }
0x48: {  	[tilespmem:s16+$0xA70] =	vst v0  }
0x49: {  	[tilespmem:s16+$0xE00] =	vst v0  }
.Ltmp0:
0x4a: {  	[tilespmem:s16+$0xE10] =	vst v0;
	(pc) =	sbr.rel @p0 .LBB2_2-.Ltmp0, $4  }
0x4b: {  	[tilespmem:s16+$0xE20] =	vst v0  }
0x4c: {  	[tilespmem:s16+$0xE30] =	vst v0  }
0x4d: {  	s17 =	sadd.s32 $0x80, s17;
	[tilespmem:s16+$0xE40] =	vst v0  }
0x4e: {  	s19 =	sand.u32 $0xF000, s18;
	s18 =	sadd.s32 $0x200, s18;
	s20 =	sand.u32 $0x380, s17;
	[tilespmem:s16+$0xE50] =	vst v0  }
0x4f: {  	s17 =	sor.u32 s20, s19;
	[tilespmem:s16+$0xE60] =	vst v0  }
0x50: {  	[tilespmem:s17+$0xE70] =	vst v0  }
0x51: {  	[tilespmem:s17+$0x200] =	vst v0  }
0x52: {  	[tilespmem:s17+$0x210] =	vst v0  }
0x53: {  	[tilespmem:s17+$0x220] =	vst v0  }
0x54: {  	[tilespmem:s17+$0x230] =	vst v0  }
0x55: {  	[tilespmem:s17+$0x240] =	vst v0  }
0x56: {  	[tilespmem:s17+$0x250] =	vst v0  }
0x57: {  	[tilespmem:s17+$0x260] =	vst v0  }
0x58: {  	[tilespmem:s17+$0x270] =	vst v0  }
0x59: {  	[tilespmem:s17+$0x600] =	vst v0  }
0x5a: {  	[tilespmem:s17+$0x610] =	vst v0  }
0x5b: {  	[tilespmem:s17+$0x620] =	vst v0  }
0x5c: {  	[tilespmem:s17+$0x630] =	vst v0  }
0x5d: {  	[tilespmem:s17+$0x640] =	vst v0  }
0x5e: {  	[tilespmem:s17+$0x650] =	vst v0  }
0x5f: {  	[tilespmem:s17+$0x660] =	vst v0  }
0x60: {  	[tilespmem:s17+$0x670] =	vst v0  }
0x61: {  	[tilespmem:s17+$0xA00] =	vst v0  }
0x62: {  	[tilespmem:s17+$0xA10] =	vst v0  }
0x63: {  	[tilespmem:s17+$0xA20] =	vst v0  }
0x64: {  	[tilespmem:s17+$0xA30] =	vst v0  }
0x65: {  	[tilespmem:s17+$0xA40] =	vst v0  }
0x66: {  	[tilespmem:s17+$0xA50] =	vst v0  }
0x67: {  	[tilespmem:s17+$0xA60] =	vst v0  }
0x68: {  	[tilespmem:s17+$0xA70] =	vst v0  }
0x69: {  	[tilespmem:s17+$0xE00] =	vst v0  }
0x6a: {  	[tilespmem:s17+$0xE10] =	vst v0  }
0x6b: {  	[tilespmem:s17+$0xE20] =	vst v0  }
0x6c: {  	[tilespmem:s17+$0xE30] =	vst v0  }
0x6d: {  	[tilespmem:s17+$0xE40] =	vst v0  }
0x6e: {  	[tilespmem:s17+$0xE50] =	vst v0  }
0x6f: {  	s16 =	simm.s32 $0x0;
	[tilespmem:s17+$0xE60] =	vst v0  }
0x70: {  	s18 =	simm.s32 $0x0;
	s17 =	simm.s32 $0x10;
	v3 =	vld [tilespmem:s16+$0x0]  }
.LBB2_4:
0x71: {  	p0 =	sne.s32 s17, $0x1F0;
	_ =	sdelay $0x1  }
0x72: {  	v4 =	vmov s16  }
0x73: {  	v5 =	vor.u32 s16, v1;
	s16 =	smov.u32 s17;
	v4 =	vshll.u32 v4, $0x3  }
0x74: {  	v5 =	vand.u32 $0x7F, v5;
	v4 =	vand.u32 $0xC00, v4;
	v6 =	vshll.u32 v3, $0x9  }
0x75: {  	v4 =	vor.u32 v4, v5;
	v7 =	vshll.u32 v3, $0x7;
	v6 =	vand.u32 $0xFFFFF000, v6  }
0x76: {  	vm0 =	vlt.u32 v3, $0x78;
	v3 =	vand.u32 $0x380, v7;
	v4 =	vor.u32 v6, v4  }
0x77: {  	v3 =	vor.u32 v3, v4;
	_ =	sdelay $0x1  }
.Ltmp1:
0x78: {  	(pc) =	sbr.rel @p0 .LBB2_4-.Ltmp1, $3  }
0x79: {  	_ =	sdelay $0x1  }
0x7a: {  	s18 =	sadd.s32 $0x10, s18;
	[tilespmem:v3+s9+$0x0] =	vst.idx.msk vm0, v2  }
0x7b: {  	s17 =	sadd.s32 $0x10, s17;
	v3 =	vld [tilespmem:s18+$0x0]  }
0x7c: {  	_ =	sdelay $0x1  }
0x7d: {  	v4 =	vmov s16  }
0x7e: {  	v5 =	vor.u32 s16, v1;
	v4 =	vshll.u32 v4, $0x3  }
0x7f: {  	v5 =	vand.u32 $0x7F, v5;
	v4 =	vand.u32 $0xC00, v4;
	v6 =	vshll.u32 v3, $0x9  }
0x80: {  	v4 =	vor.u32 v4, v5;
	v7 =	vshll.u32 v3, $0x7;
	v6 =	vand.u32 $0xFFFFF000, v6  }
0x81: {  	vm0 =	vlt.u32 v3, $0x78;
	v3 =	vand.u32 $0x380, v7;
	v4 =	vor.u32 v6, v4  }
0x82: {  	v3 =	vor.u32 v3, v4;
	_ =	sdelay $0x2  }
0x83: {  	s16 =	simm.s32 $0x0  }
0x84: {  	s17 =	sand.u32 $0xF000, s16;
	s18 =	sand.u32 $0x380, s16  }
0x85: {  	s17 =	sor.u32 s18, s17;
	[tilespmem:v3+s9+$0x0] =	vst.idx.msk vm0, v2  }
0x86: {  	[hbm4b:s3+s10] =	stream.strided.scatter [tilespmem:s9], [sflag:$0x1], $0xF000, s11, s10, $0x38;
	[tilespmem:$0x1E200] =	vst v63  }
0x87: {  	[tilespmem:s17+$0xFE70] =	vst v0  }
0x88: {  	[tilespmem:s17+$0xF200] =	vst v0  }
0x89: {  	[tilespmem:s17+$0xF210] =	vst v0  }
0x8a: {  	[tilespmem:s17+$0xF220] =	vst v0  }
0x8b: {  	[tilespmem:s17+$0xF230] =	vst v0  }
0x8c: {  	[tilespmem:s17+$0xF240] =	vst v0  }
0x8d: {  	[tilespmem:s17+$0xF250] =	vst v0  }
0x8e: {  	[tilespmem:s17+$0xF260] =	vst v0  }
0x8f: {  	[tilespmem:s17+$0xF270] =	vst v0  }
0x90: {  	[tilespmem:s17+$0xF600] =	vst v0  }
0x91: {  	[tilespmem:s17+$0xF610] =	vst v0  }
0x92: {  	[tilespmem:s17+$0xF620] =	vst v0  }
0x93: {  	[tilespmem:s17+$0xF630] =	vst v0  }
0x94: {  	[tilespmem:s17+$0xF640] =	vst v0  }
0x95: {  	[tilespmem:s17+$0xF650] =	vst v0  }
0x96: {  	[tilespmem:s17+$0xF660] =	vst v0  }
0x97: {  	[tilespmem:s17+$0xF670] =	vst v0  }
0x98: {  	[tilespmem:s17+$0xFA00] =	vst v0  }
0x99: {  	[tilespmem:s17+$0xFA10] =	vst v0  }
0x9a: {  	[tilespmem:s17+$0xFA20] =	vst v0  }
0x9b: {  	[tilespmem:s17+$0xFA30] =	vst v0  }
0x9c: {  	[tilespmem:s17+$0xFA40] =	vst v0  }
0x9d: {  	[tilespmem:s17+$0xFA50] =	vst v0  }
0x9e: {  	[tilespmem:s17+$0xFA60] =	vst v0  }
0x9f: {  	[tilespmem:s17+$0xFA70] =	vst v0  }
0xa0: {  	[tilespmem:s17+$0xFE00] =	vst v0  }
0xa1: {  	[tilespmem:s17+$0xFE10] =	vst v0  }
0xa2: {  	[tilespmem:s17+$0xFE20] =	vst v0  }
0xa3: {  	[tilespmem:s17+$0xFE30] =	vst v0  }
0xa4: {  	s19 =	simm.s32 $0x200;
	s18 =	simm.s32 $0x80;
	[tilespmem:s17+$0xFE40] =	vst v0  }
0xa5: {  	s20 =	sand.u32 $0xF000, s19;
	s19 =	simm.s32 $0x400;
	s21 =	sand.u32 $0x380, s18;
	[tilespmem:s17+$0xFE50] =	vst v0  }
.LBB2_6:
0xa6: {  	p0 =	sne.s32 s19, $0xEE00;
	[tilespmem:s17+$0xFE60] =	vst v0;
	s17 =	sor.u32 s21, s20  }
0xa7: {  	[tilespmem:s17+$0xFE70] =	vst v0  }
0xa8: {  	[tilespmem:s17+$0xF200] =	vst v0  }
0xa9: {  	[tilespmem:s17+$0xF210] =	vst v0  }
0xaa: {  	[tilespmem:s17+$0xF220] =	vst v0  }
0xab: {  	[tilespmem:s17+$0xF230] =	vst v0  }
0xac: {  	[tilespmem:s17+$0xF240] =	vst v0  }
0xad: {  	[tilespmem:s17+$0xF250] =	vst v0  }
0xae: {  	[tilespmem:s17+$0xF260] =	vst v0  }
0xaf: {  	[tilespmem:s17+$0xF270] =	vst v0  }
0xb0: {  	[tilespmem:s17+$0xF600] =	vst v0  }
0xb1: {  	[tilespmem:s17+$0xF610] =	vst v0  }
0xb2: {  	[tilespmem:s17+$0xF620] =	vst v0  }
0xb3: {  	[tilespmem:s17+$0xF630] =	vst v0  }
0xb4: {  	[tilespmem:s17+$0xF640] =	vst v0  }
0xb5: {  	[tilespmem:s17+$0xF650] =	vst v0  }
0xb6: {  	[tilespmem:s17+$0xF660] =	vst v0  }
0xb7: {  	[tilespmem:s17+$0xF670] =	vst v0  }
0xb8: {  	[tilespmem:s17+$0xFA00] =	vst v0  }
0xb9: {  	[tilespmem:s17+$0xFA10] =	vst v0  }
0xba: {  	[tilespmem:s17+$0xFA20] =	vst v0  }
0xbb: {  	[tilespmem:s17+$0xFA30] =	vst v0  }
0xbc: {  	[tilespmem:s17+$0xFA40] =	vst v0  }
0xbd: {  	[tilespmem:s17+$0xFA50] =	vst v0  }
0xbe: {  	[tilespmem:s17+$0xFA60] =	vst v0  }
0xbf: {  	[tilespmem:s17+$0xFA70] =	vst v0  }
0xc0: {  	[tilespmem:s17+$0xFE00] =	vst v0  }
.Ltmp2:
0xc1: {  	[tilespmem:s17+$0xFE10] =	vst v0;
	(pc) =	sbr.rel @p0 .LBB2_6-.Ltmp2, $4  }
0xc2: {  	[tilespmem:s17+$0xFE20] =	vst v0  }
0xc3: {  	[tilespmem:s17+$0xFE30] =	vst v0  }
0xc4: {  	s18 =	sadd.s32 $0x80, s18;
	[tilespmem:s17+$0xFE40] =	vst v0  }
0xc5: {  	s20 =	sand.u32 $0xF000, s19;
	s19 =	sadd.s32 $0x200, s19;
	s21 =	sand.u32 $0x380, s18;
	[tilespmem:s17+$0xFE50] =	vst v0  }
0xc6: {  	s18 =	sor.u32 s21, s20;
	[tilespmem:s17+$0xFE60] =	vst v0  }
0xc7: {  	[tilespmem:s18+$0xFE70] =	vst v0  }
0xc8: {  	[tilespmem:s18+$0xF200] =	vst v0  }
0xc9: {  	[tilespmem:s18+$0xF210] =	vst v0  }
0xca: {  	[tilespmem:s18+$0xF220] =	vst v0  }
0xcb: {  	[tilespmem:s18+$0xF230] =	vst v0  }
0xcc: {  	[tilespmem:s18+$0xF240] =	vst v0  }
0xcd: {  	[tilespmem:s18+$0xF250] =	vst v0  }
0xce: {  	[tilespmem:s18+$0xF260] =	vst v0  }
0xcf: {  	[tilespmem:s18+$0xF270] =	vst v0  }
0xd0: {  	[tilespmem:s18+$0xF600] =	vst v0  }
0xd1: {  	[tilespmem:s18+$0xF610] =	vst v0  }
0xd2: {  	[tilespmem:s18+$0xF620] =	vst v0  }
0xd3: {  	[tilespmem:s18+$0xF630] =	vst v0  }
0xd4: {  	[tilespmem:s18+$0xF640] =	vst v0  }
0xd5: {  	[tilespmem:s18+$0xF650] =	vst v0  }
0xd6: {  	[tilespmem:s18+$0xF660] =	vst v0  }
0xd7: {  	[tilespmem:s18+$0xF670] =	vst v0  }
0xd8: {  	[tilespmem:s18+$0xFA00] =	vst v0  }
0xd9: {  	[tilespmem:s18+$0xFA10] =	vst v0  }
0xda: {  	[tilespmem:s18+$0xFA20] =	vst v0  }
0xdb: {  	[tilespmem:s18+$0xFA30] =	vst v0  }
0xdc: {  	[tilespmem:s18+$0xFA40] =	vst v0  }
0xdd: {  	[tilespmem:s18+$0xFA50] =	vst v0  }
0xde: {  	[tilespmem:s18+$0xFA60] =	vst v0  }
0xdf: {  	[tilespmem:s18+$0xFA70] =	vst v0  }
0xe0: {  	[tilespmem:s18+$0xFE00] =	vst v0  }
0xe1: {  	[tilespmem:s18+$0xFE10] =	vst v0  }
0xe2: {  	[tilespmem:s18+$0xFE20] =	vst v0  }
0xe3: {  	[tilespmem:s18+$0xFE30] =	vst v0  }
0xe4: {  	[tilespmem:s18+$0xFE40] =	vst v0  }
0xe5: {  	[tilespmem:s18+$0xFE50] =	vst v0  }
0xe6: {  	[tilespmem:s18+$0xFE60] =	vst v0  }
0xe7: {  	s17 =	simm.s32 $0x10;
	s18 =	simm.s32 $0x0;
	v3 =	vld [tilespmem:s16+$0x0]  }
.LBB2_8:
0xe8: {  	p0 =	sne.s32 s17, $0x1F0;
	_ =	sdelay $0x2  }
0xe9: {  	v4 =	vmov s16  }
0xea: {  	v4 =	vshll.u32 v4, $0x3;
	v5 =	vshll.u32 v3, $0x9  }
0xeb: {  	v4 =	vand.u32 $0xC00, v4;
	v6 =	vshll.u32 v3, $0x7;
	v5 =	vand.u32 $0xFFFFF000, v5  }
0xec: {  	v7 =	vor.u32 s16, v1;
	s16 =	smov.u32 s17;
	v4 =	vor.u32 v4, v5;
	v5 =	vand.u32 $0x380, v6  }
0xed: {  	v3 =	vadd.s32 $0xFFFFFF88, v3;
	v6 =	vand.u32 $0x7F, v7;
	v4 =	vor.u32 v5, v4  }
0xee: {  	vm0 =	vlt.u32 v3, $0x78;
	v3 =	vor.u32 v6, v4  }
0xef: {  	v3 =	vadd.s32 $0xFFFF1000, v3;
	_ =	sdelay $0x1  }
.Ltmp3:
0xf0: {  	(pc) =	sbr.rel @p0 .LBB2_8-.Ltmp3, $3  }
0xf1: {  	_ =	sdelay $0x1  }
0xf2: {  	s18 =	sadd.s32 $0x10, s18;
	[tilespmem:v3+s12+$0x0] =	vst.idx.msk vm0, v2  }
0xf3: {  	s17 =	sadd.s32 $0x10, s17;
	v3 =	vld [tilespmem:s18+$0x0]  }
0xf4: {  	_ =	sdelay $0x2  }
0xf5: {  	v4 =	vmov s16  }
0xf6: {  	v4 =	vshll.u32 v4, $0x3;
	v5 =	vshll.u32 v3, $0x9  }
0xf7: {  	v4 =	vand.u32 $0xC00, v4;
	v6 =	vshll.u32 v3, $0x7;
	v5 =	vand.u32 $0xFFFFF000, v5  }
0xf8: {  	v7 =	vor.u32 s16, v1;
	v62 =	vand.u32 $0x380, v6;
	v4 =	vor.u32 v4, v5  }
0xf9: {  	v63 =	vand.u32 $0x7F, v7;
	v3 =	vadd.s32 $0xFFFFFF88, v3;
	v4 =	vor.u32 v62, v4  }
0xfa: {  	vm0 =	vlt.u32 v3, $0x78;
	v3 =	vor.u32 v63, v4  }
0xfb: {  	v3 =	vadd.s32 $0xFFFF1000, v3;
	_ =	sdelay $0x4  }
0xfc: {  	s16 =	simm.s32 $0x1;
	[tilespmem:v3+s12+$0x0] =	vst.idx.msk vm0, v2  }
0xfd: {  	[hbm4b:s5+s10] =	stream.strided.scatter [tilespmem:s12], [sflag:$0x2], $0xF000, s11, s10, $0x38;
	[tilespmem:$0x1E200] =	vst v63  }
.LBB2_10:
0xfe: {  	_ =	swait.ge [sflag:s13], $0xF000  }
0xff: {  	[sflag:s13] =	ssyncset.done $0x0  }
0x100: {  	s19 =	simm.s32 $0x0;
	[sflag:s13] =	ssyncadd.s32 $0xFFFF1000  }
0x101: {  	v7 =	vld [tilespmem:s19+$0x0]  }
0x102: {  	s18 =	smul.u32 $0xF0, s16  }
0x103: {  	v5 =	vmov s19;
	v9 =	vor.u32 s19, v1  }
0x104: {  	s17 =	sadd.s32 $0xFFFFFF10, s18;
	s20 =	sadd.s32 $0xFFFFFF88, s18;
	v4 =	vmov s18;
	v8 =	vshll.u32 v5, $0x3;
	v9 =	vand.u32 $0x7F, v9  }
0x105: {  	v6 =	vmov s17;
	s17 =	sadd.s32 $0x78, s18;
	v3 =	vmov s20;
	v8 =	vand.u32 $0xC00, v8  }
0x106: {  	v5 =	vmov s17;
	vm0 =	vge.s32 v7, v6;
	v10 =	vsub.s32 v7, v6  }
0x107: {  	v11 =	vsub.s32 v7, v4;
	vm1 =	vlt.s32 v7, v3;
	vm2 =	vge.s32 v7, v4  }
0x108: {  	v10 =	vshll.u32 v10, $0x9;
	vm0 =	vmand vm0, vm1;
	v11 =	vshll.u32 v11, $0x9  }
0x109: {  	vm1 =	vlt.s32 v7, v5;
	v10 =	vand.u32 $0xFFFFF000, v10;
	v11 =	vand.u32 $0xFFFFF000, v11  }
0x10a: {  	v7 =	vshll.u32 v7, $0x7;
	v10 =	vor.u32 v10, v8;
	v8 =	vor.u32 v11, v8  }
0x10b: {  	v7 =	vand.u32 $0x380, v7;
	v10 =	vor.u32 v9, v10;
	v9 =	vor.u32 v9, v8  }
0x10c: {  	s20 =	simm.s32 $0x10;
	vm1 =	vmand vm2, vm1;
	v8 =	vor.u32 v7, v10;
	v7 =	vor.u32 v7, v9  }
.LBB2_11:
0x10d: {  	p0 =	sne.s32 s20, $0x1F0  }
0x10e: {  	s19 =	sadd.s32 $0x10, s19;
	s21 =	smov.u32 s20;
	s20 =	sadd.s32 $0x10, s20  }
0x10f: {  	_ =	sdelay $0x2  }
0x110: {  	[tilespmem:v8+s9+$0x0] =	vst.idx.msk vm0, v0  }
0x111: {  	[tilespmem:v7+s9+$0x0] =	vst.idx.msk vm1, v2  }
0x112: {  	v8 =	vmov s21;
	v7 =	vld [tilespmem:s19+$0x0]  }
0x113: {  	v9 =	vor.u32 s21, v1;
	v8 =	vshll.u32 v8, $0x3;
	_ =	sdelay $0x1  }
0x114: {  	v8 =	vand.u32 $0xC00, v8  }
0x115: {  	v9 =	vand.u32 $0x7F, v9  }
0x116: {  	vm0 =	vge.s32 v7, v6;
	v10 =	vsub.s32 v7, v6;
	v11 =	vsub.s32 v7, v4  }
0x117: {  	vm1 =	vlt.s32 v7, v3;
	vm2 =	vge.s32 v7, v4;
	v10 =	vshll.u32 v10, $0x9  }
.Ltmp4:
0x118: {  	vm0 =	vmand vm0, vm1;
	vm1 =	vlt.s32 v7, v5;
	v11 =	vshll.u32 v11, $0x9;
	(pc) =	sbr.rel @p0 .LBB2_11-.Ltmp4, $4  }
0x119: {  	v10 =	vand.u32 $0xFFFFF000, v10;
	vm1 =	vmand vm2, vm1;
	v11 =	vand.u32 $0xFFFFF000, v11  }
0x11a: {  	v7 =	vshll.u32 v7, $0x7;
	v10 =	vor.u32 v10, v8;
	v8 =	vor.u32 v11, v8  }
0x11b: {  	v7 =	vand.u32 $0x380, v7;
	v10 =	vor.u32 v9, v10;
	v9 =	vor.u32 v9, v8  }
0x11c: {  	v8 =	vor.u32 v7, v10;
	v7 =	vor.u32 v7, v9  }
0x11d: {  	_ =	sdelay $0x3  }
0x11e: {  	s19 =	smul.u32 $0x78000, s16  }
0x11f: {  	[tilespmem:v8+s9+$0x0] =	vst.idx.msk vm0, v0  }
0x120: {  	[tilespmem:v7+s9+$0x0] =	vst.idx.msk vm1, v2;
	s19 =	sadd.s32 s19, s3  }
0x121: {  	[hbm4b:s19+s10] =	stream.strided.scatter [tilespmem:s9], [sflag:$0x1], $0xF000, s11, s10, $0x38;
	[tilespmem:$0x1E200] =	vst v63  }
0x122: {  	_ =	swait.ge [sflag:s14], $0xF000  }
0x123: {  	[sflag:s14] =	ssyncset.done $0x0  }
0x124: {  	s19 =	simm.s32 $0x0;
	[sflag:s14] =	ssyncadd.s32 $0xFFFF1000  }
0x125: {  	v7 =	vld [tilespmem:s19+$0x0];
	_ =	sdelay $0x2  }
0x126: {  	s18 =	sadd.s32 $0xF0, s18;
	v6 =	vmov s19;
	v9 =	vor.u32 s19, v1  }
0x127: {  	v8 =	vshll.u32 v6, $0x3;
	v6 =	vmov s18;
	v9 =	vand.u32 $0x7F, v9  }
0x128: {  	v8 =	vand.u32 $0xC00, v8;
	vm0 =	vge.s32 v7, v3;
	v10 =	vsub.s32 v7, v3  }
0x129: {  	v11 =	vsub.s32 v7, v5;
	vm1 =	vlt.s32 v7, v4;
	vm2 =	vge.s32 v7, v5  }
0x12a: {  	v10 =	vshll.u32 v10, $0x9;
	vm0 =	vmand vm0, vm1;
	v11 =	vshll.u32 v11, $0x9  }
0x12b: {  	vm1 =	vlt.s32 v7, v6;
	v10 =	vand.u32 $0xFFFFF000, v10;
	v11 =	vand.u32 $0xFFFFF000, v11  }
0x12c: {  	v7 =	vshll.u32 v7, $0x7;
	v10 =	vor.u32 v10, v8;
	v8 =	vor.u32 v11, v8  }
0x12d: {  	v7 =	vand.u32 $0x380, v7;
	v10 =	vor.u32 v9, v10;
	v9 =	vor.u32 v9, v8  }
0x12e: {  	s18 =	simm.s32 $0x10;
	vm1 =	vmand vm2, vm1;
	v8 =	vor.u32 v7, v10;
	v7 =	vor.u32 v7, v9  }
.LBB2_13:
0x12f: {  	p0 =	sne.s32 s18, $0x1F0  }
0x130: {  	s19 =	sadd.s32 $0x10, s19;
	s20 =	smov.u32 s18;
	s18 =	sadd.s32 $0x10, s18  }
0x131: {  	_ =	sdelay $0x2  }
0x132: {  	[tilespmem:v8+s12+$0x0] =	vst.idx.msk vm0, v0  }
0x133: {  	[tilespmem:v7+s12+$0x0] =	vst.idx.msk vm1, v2  }
0x134: {  	v8 =	vmov s20;
	v7 =	vld [tilespmem:s19+$0x0]  }
0x135: {  	v9 =	vor.u32 s20, v1;
	v8 =	vshll.u32 v8, $0x3;
	_ =	sdelay $0x1  }
0x136: {  	v8 =	vand.u32 $0xC00, v8  }
0x137: {  	v9 =	vand.u32 $0x7F, v9  }
0x138: {  	vm0 =	vge.s32 v7, v3;
	v10 =	vsub.s32 v7, v3;
	v11 =	vsub.s32 v7, v5  }
0x139: {  	vm1 =	vlt.s32 v7, v4;
	vm2 =	vge.s32 v7, v5;
	v10 =	vshll.u32 v10, $0x9  }
.Ltmp5:
0x13a: {  	vm0 =	vmand vm0, vm1;
	vm1 =	vlt.s32 v7, v6;
	v11 =	vshll.u32 v11, $0x9;
	(pc) =	sbr.rel @p0 .LBB2_13-.Ltmp5, $4  }
0x13b: {  	v10 =	vand.u32 $0xFFFFF000, v10;
	vm1 =	vmand vm2, vm1;
	v11 =	vand.u32 $0xFFFFF000, v11  }
0x13c: {  	v7 =	vshll.u32 v7, $0x7;
	v10 =	vor.u32 v10, v8;
	v8 =	vor.u32 v11, v8  }
0x13d: {  	v7 =	vand.u32 $0x380, v7;
	v10 =	vor.u32 v9, v10;
	v9 =	vor.u32 v9, v8  }
0x13e: {  	v8 =	vor.u32 v7, v10;
	v7 =	vor.u32 v7, v9  }
0x13f: {  	_ = 	snop  }
0x140: {  	s16 =	sadd.s32 $0x1, s16  }
0x141: {  	p0 =	sne.s32 s16, $0x4  }
.Ltmp6:
0x142: {  	_ = 	snop;
	(pc) =	sbr.rel @p0 .LBB2_10-.Ltmp6, $4  }
0x143: {  	_ = 	snop  }
0x144: {  	[tilespmem:v8+s12+$0x0] =	vst.idx.msk vm0, v0;
	s17 =	sshll.u32 s17, $0xB  }
0x145: {  	[tilespmem:v7+s12+$0x0] =	vst.idx.msk vm1, v2;
	s17 =	sadd.s32 s17, s3  }
0x146: {  	[hbm4b:s17+s10] =	stream.strided.scatter [tilespmem:s12], [sflag:$0x2], $0xF000, s11, s10, $0x38;
	[tilespmem:$0x1E200] =	vst v63  }
0x147: {  	_ =	swait.ge [sflag:s13], $0xF000  }
0x148: {  	[sflag:s13] =	ssyncset.done $0x0  }
0x149: {  	s16 =	simm.s32 $0x0;
	[sflag:s13] =	ssyncadd.s32 $0xFFFF1000  }
0x14a: {  	v3 =	vld [tilespmem:s16+$0x0]  }
0x14b: {  	s17 =	simm.s32 $0x10;
	s18 =	simm.s32 $0x0  }
.LBB2_16:
0x14c: {  	p0 =	sne.s32 s17, $0x1F0;
	_ =	sdelay $0x1  }
0x14d: {  	v4 =	vmov s16  }
0x14e: {  	v5 =	vshll.u32 v3, $0x9;
	v6 =	vshll.u32 v3, $0x7;
	v7 =	vadd.s32 $0xFFFFFC40, v3  }
0x14f: {  	v4 =	vshll.u32 v4, $0x3;
	v5 =	vand.u32 $0xFFFFF000, v5;
	v6 =	vand.u32 $0x380, v6  }
0x150: {  	v8 =	vor.u32 s16, v1;
	s16 =	smov.u32 s17;
	v4 =	vand.u32 $0xC00, v4;
	v5 =	vor.u32 v6, v5  }
0x151: {  	v3 =	vadd.s32 $0xFFFFFD30, v3;
	v6 =	vand.u32 $0x7F, v8;
	v4 =	vor.u32 v4, v5  }
0x152: {  	vm0 =	vlt.u32 v3, $0x78;
	v3 =	vor.u32 v6, v4  }
0x153: {  	vm1 =	vlt.u32 v7, $0x28;
	v4 =	vadd.s32 $0xFFFA6000, v3;
	v3 =	vadd.s32 $0xFFF88000, v3;
	_ =	sdelay $0x3  }
.Ltmp7:
0x154: {  	(pc) =	sbr.rel @p0 .LBB2_16-.Ltmp7, $4  }
0x155: {  	[tilespmem:v4+s9+$0x0] =	vst.idx.msk vm0, v0  }
0x156: {  	s18 =	sadd.s32 $0x10, s18;
	[tilespmem:v3+s9+$0x0] =	vst.idx.msk vm1, v2  }
0x157: {  	v3 =	vld [tilespmem:s18+$0x0]  }
0x158: {  	s17 =	sadd.s32 $0x10, s17  }
0x159: {  	_ =	sdelay $0x2  }
0x15a: {  	v4 =	vmov s16;
	v5 =	vshll.u32 v3, $0x9;
	v6 =	vshll.u32 v3, $0x7  }
0x15b: {  	v4 =	vshll.u32 v4, $0x3;
	v5 =	vand.u32 $0xFFFFF000, v5;
	v6 =	vand.u32 $0x380, v6  }
0x15c: {  	v7 =	vor.u32 s16, v1;
	v4 =	vand.u32 $0xC00, v4;
	v5 =	vor.u32 v6, v5  }
0x15d: {  	v7 =	vand.u32 $0x7F, v7;
	v62 =	vadd.s32 $0xFFFFFD30, v3;
	v4 =	vor.u32 v4, v5  }
0x15e: {  	v3 =	vadd.s32 $0xFFFFFC40, v3;
	vm0 =	vlt.u32 v62, $0x78;
	v4 =	vor.u32 v7, v4  }
0x15f: {  	vm1 =	vlt.u32 v3, $0x28;
	v63 =	vadd.s32 $0xFFFA6000, v4  }
0x160: {  	v3 =	vadd.s32 $0xFFF88000, v4;
	_ =	sdelay $0x3  }
0x161: {  	[tilespmem:v63+s9+$0x0] =	vst.idx.msk vm0, v0  }
0x162: {  	s15 =	sadd.s32 $0x1, s15;
	[tilespmem:v3+s9+$0x0] =	vst.idx.msk vm1, v2  }
0x163: {  	[hbm4b:s6+s10] =	stream.strided.scatter [tilespmem:s9], [sflag:$0x1], $0x5000, s11, s10, $0x38;
	[tilespmem:$0x1E200] =	vst v63  }
0x164: {  	p0 =	sne.s32 s15, s7;
	_ =	swait.ge [sflag:s14], $0xF000  }
.Ltmp8:
0x165: {  	[sflag:s14] =	ssyncset.done $0x0;
	(pc) =	sbr.rel @p0 .LBB2_1-.Ltmp8, $4  }
0x166: {  	[sflag:s14] =	ssyncadd.s32 $0xFFFF1000  }
0x167: {  	_ =	swait.ge [sflag:s13], $0x5000  }
0x168: {  	[sflag:s13] =	ssyncset.done $0x0  }
0x169: {  	[sflag:s13] =	ssyncadd.s32 $0xFFFFB000  }
0x16a: {  	_ =	sfence.sel $0x180000  }
0x16b: {  	[bflag:$0x0] =	sbarrier.arrive $0xFFFF  }
0x16c: {  	p0 =	sne.s32 s1, $0x0;
	_ =	strace $0x90000047  }
0x16d: {  	s0 =	sadd.s32 @!p0 $0x100000, s0;
	[bflag:$0x2] =	sbarrier.arrive $0xFFFF  }
0x16e: {  	[sflag:s0] =	ssyncadd.tile.s32 @!p0 $0x1;
	_ =	shalt  }
.Lfunc_end2:
_tile_overlayer_lowered:
.L_overlay_start_2:
0x16f: {  	(tag) =	ssettag $0x2  }
0x170: {  	s0 =	rddreg [dreg:$0x0];
	s2 =	stileid.u32  }
0x171: {  	s1 =	rddreg [dreg:$0x1];
	p0 =	sne.s32 s2, $0x0  }
0x172: {  	s3 =	rddreg [dreg:$0x2];
	[bflag:$0x3] =	sbarrier.arrive $0xFFFF;
	s2 =	simm.s32 @!p0 $0x1C03  }
0x173: {  	[timem:s3], [sflag:s2] =	dma.local @!p0 [hbm:s0], s1  }
0x174: {  	s0 =	simm.s32 @!p0 $0x3  }
0x175: {  	_ =	swait.ge @!p0 [sflag:s0], s1  }
0x176: {  	s1 =	ssub.s32 @!p0 $0x0, s1;
	[sflag:s0] =	ssyncset.done @!p0 $0x0  }
0x177: {  	[sflag:s0] =	ssyncadd.s32 @!p0 s1  }
0x178: {  	[bflag:$0x3] =	sbarrier.arrive $0xFFFF  }
0x179: {  	_ =	shalt  }

</sc_bundles>
